<compile_context>
chip_gen: v7x
topology: tpu7x:2x2x1
jax: 0.10.2.dev20260603
libtpu: 0.0.44.dev20260713+nightly
codegen_flags: <defaults>
</compile_context>

<pallas_src>
import functools

import jax
import jax.numpy as jnp
from jax import lax
from jax.experimental import pallas as pl
from jax.experimental.pallas import tpu as pltpu
from jax.experimental.pallas import tpu_sc as plsc

N_NODES = 10000
F = 16
NPAD = 10112
ROWS_PER_SUB = NPAD // 16
DUMMY = 10008
NCORES = 2
NSUB = 16
NTILES = NCORES * NSUB

_mesh = plsc.VectorSubcoreMesh(core_axis_name="c", subcore_axis_name="s")


def _agg_body(ept, g_hbm, edge_hbm, out_hbm,
              sidx, didx, rows, stage, acc, gtab, sem):
    c = lax.axis_index("c")
    s = lax.axis_index("s")
    t = c * NSUB + s
    sl = pl.ds(s * ROWS_PER_SUB, ROWS_PER_SUB)
    pltpu.sync_copy(g_hbm.at[sl], stage)
    pltpu.sync_copy(stage, acc.at[sl])
    pltpu.sync_copy(stage, gtab.at[sl])
    pltpu.sync_copy(edge_hbm.at[0, pl.ds(t * ept, ept)], sidx)
    pltpu.sync_copy(edge_hbm.at[1, pl.ds(t * ept, ept)], didx)
    plsc.subcore_barrier()
    pltpu.async_copy(gtab.at[sidx], rows, sem).wait()
    pltpu.sync_copy(rows, acc.at[didx], add=True)
    plsc.subcore_barrier()
    pltpu.sync_copy(acc.at[sl], out_hbm.at[c, sl])


def _make_agg(ept):
    return functools.partial(
        pl.kernel,
        mesh=_mesh,
        compiler_params=pltpu.CompilerParams(use_tc_tiling_on_sc=False),
        out_type=jax.ShapeDtypeStruct((NCORES, NPAD, F), jnp.float32),
        scratch_types=[
            pltpu.VMEM((ept,), jnp.int32),
            pltpu.VMEM((ept,), jnp.int32),
            pltpu.VMEM((ept, F), jnp.float32),
            pltpu.VMEM((ROWS_PER_SUB, F), jnp.float32),
            pltpu.VMEM_SHARED((NPAD, F), jnp.float32),
            pltpu.VMEM_SHARED((NPAD, F), jnp.float32),
            pltpu.SemaphoreType.DMA,
        ],
    )(functools.partial(_agg_body, ept))



def _tc1a_body(x_ref, w1_ref, h_ref):
    h_ref[...] = jnp.dot(x_ref[...], w1_ref[...],
                         preferred_element_type=jnp.float32)


def _tc1b_body(h_ref, cnt_ref, g1_ref, dis_ref):
    deg = cnt_ref[0] + cnt_ref[1] - 1.0
    dis = lax.rsqrt(deg)
    dis_ref[...] = dis
    g1_ref[:N_NODES] = dis[:N_NODES] * h_ref[...]
    g1_ref[N_NODES:] = jnp.zeros((NPAD - N_NODES, F), jnp.float32)


def _tc2_body(acc_ref, g1_ref, dis_ref, b1_ref, w2_ref, g2_ref):
    dis = dis_ref[...]
    pre = acc_ref[0] + acc_ref[1] - g1_ref[...]
    z1 = jnp.maximum(dis * pre + b1_ref[...], 0.0)
    g2_ref[...] = dis * jnp.dot(z1, w2_ref[...],
                                preferred_element_type=jnp.float32)


def _tc3_body(acc_ref, g2_ref, dis_ref, b2_ref, g3_ref):
    dis = dis_ref[...]
    pre = acc_ref[0] + acc_ref[1] - g2_ref[...]
    z2 = jnp.maximum(dis * pre + b2_ref[...], 0.0)
    g3_ref[...] = dis * z2


def _tc4_body(acc_ref, g3_ref, dis_ref, w3_ref, b3_ref, out_ref):
    pre = acc_ref[0, :N_NODES] + acc_ref[1, :N_NODES] - g3_ref[:N_NODES]
    p = dis_ref[:N_NODES] * pre
    out_ref[...] = jnp.dot(p, w3_ref[...],
                           preferred_element_type=jnp.float32) + b3_ref[...]


def _f32(*shape):
    return jax.ShapeDtypeStruct(shape, jnp.float32)


def kernel(x, edge_index, W1, b1, W2, b2, W3, b3):
    fout = W3.shape[1]
    e = edge_index.shape[1]
    ept = pl.cdiv(e, NTILES * 8) * 8
    epad = NTILES * ept

    edges = edge_index.astype(jnp.int32)
    if epad > e:
        edges = jnp.pad(edges, ((0, 0), (0, epad - e)),
                        constant_values=DUMMY)

    ones_tab = jnp.ones((NPAD, F), jnp.float32)

    agg = _make_agg(ept)
    cnt = agg(ones_tab, edges)
    h1 = pl.pallas_call(
        _tc1a_body, out_shape=_f32(N_NODES, F),
    )(x, W1)
    g1, dis = pl.pallas_call(
        _tc1b_body, out_shape=(_f32(NPAD, F), _f32(NPAD, F)),
    )(h1, cnt)
    a1 = agg(g1, edges)
    g2 = pl.pallas_call(
        _tc2_body, out_shape=_f32(NPAD, F),
    )(a1, g1, dis, b1.reshape(1, F), W2)
    a2 = agg(g2, edges)
    g3 = pl.pallas_call(
        _tc3_body, out_shape=_f32(NPAD, F),
    )(a2, g2, dis, b2.reshape(1, F))
    a3 = agg(g3, edges)
    out = pl.pallas_call(
        _tc4_body, out_shape=_f32(N_NODES, fout),
    )(a3, g3, dis, W3, b3.reshape(1, fout))
    return out

# --- scband reference (transcript-rebuilt; emitter-appended) ---
"""Pipeline reference for scband-gcn-40922448396696 (READ-ONLY COPY).

The authoritative reference and input builder live on the scoring server;
editing this copy changes nothing except your own understanding.
"""

import jax, jax.numpy as jnp
import numpy as np

N_NODES = 10000

def gcn_conv(x, src, dst, W, b):
    num_nodes = x.shape[0]
    loop = jnp.arange(num_nodes, dtype=src.dtype)
    s = jnp.concatenate([src, loop])
    d = jnp.concatenate([dst, loop])
    deg = jnp.zeros((num_nodes,), dtype=x.dtype).at[d].add(1.0)
    dis = jnp.where(deg > 0, 1.0 / jnp.sqrt(deg), 0.0)
    norm = dis[s] * dis[d]
    h = x @ W
    msg = h[s] * norm[:, None]
    out = jnp.zeros((num_nodes, h.shape[1]), dtype=x.dtype).at[d].add(msg)
    return out + b

def setup_inputs(seed: int = 0) -> dict:
    key = jax.random.key(seed)
    ks = jax.random.split(key, 8)
    x = jax.random.normal(ks[0], (N_NODES, 500), dtype=jnp.float32)
    edge_index = jax.random.randint(ks[1], (2, 160000), 0, N_NODES, dtype=jnp.int64)
    W1 = jax.random.normal(ks[2], (500, 16), dtype=jnp.float32) * (1.0 / np.sqrt(500))
    b1 = jnp.zeros((16,), dtype=jnp.float32)
    W2 = jax.random.normal(ks[3], (16, 16), dtype=jnp.float32) * (1.0 / np.sqrt(16))
    b2 = jnp.zeros((16,), dtype=jnp.float32)
    W3 = jax.random.normal(ks[4], (16, 500), dtype=jnp.float32) * (1.0 / np.sqrt(16))
    b3 = jnp.zeros((500,), dtype=jnp.float32)
    return {"x": x, "edge_index": edge_index, "W1": W1, "b1": b1, "W2": W2, "b2": b2, "W3": W3, "b3": b3}

def reference(x, edge_index, W1, b1, W2, b2, W3, b3):
    src = edge_index[0]
    dst = edge_index[1]
    h = gcn_conv(x, src, dst, W1, b1)
    h = jax.nn.relu(h)
    h = gcn_conv(h, src, dst, W2, b2)
    h = jax.nn.relu(h)
    out = gcn_conv(h, src, dst, W3, b3)
    return out

if __name__ == "__main__":
    import jax
    _d = setup_inputs()
    print(jax.jit(kernel)(*tuple(_d.values())))

</pallas_src>

<mosaic_0001>
#map = affine_map<(d0, d1) -> (0, 0)>
#map1 = affine_map<(d0, d1) -> (0, 0, 0)>
module attributes {stable_mosaic.version = 14 : i64} {
  func.func @_agg_body(%arg0: i32, %arg1: i32, %arg2: memref<10112x16xf32, #tpu.memory_space<hbm>>, %arg3: memref<2x160000xi32, #tpu.memory_space<hbm>>, %arg4: memref<2x10112x16xf32, #tpu.memory_space<hbm>>, %arg5: memref<5000xi32, #tpu.memory_space<vmem>>, %arg6: memref<5000xi32, #tpu.memory_space<vmem>>, %arg7: memref<5000x16xf32, #tpu.memory_space<vmem>>, %arg8: memref<632x16xf32, #tpu.memory_space<vmem>>, %arg9: memref<10112x16xf32, #tpu.memory_space<vmem_shared>>, %arg10: memref<10112x16xf32, #tpu.memory_space<vmem_shared>>, %arg11: memref<!tpu.dma_semaphore, #tpu.memory_space<semaphore_mem>>) attributes {dimension_semantics = [#tpu.dimension_semantics<core_parallel>, #tpu.dimension_semantics<subcore_parallel>], iteration_bounds = array<i64: 2, 16>, scalar_prefetch = 0 : i64, scratch_operands = 7 : i64, tpu.core_type = #tpu.core_type<sc_vector_subcore>, window_params = [{transform_indices = #map}, {transform_indices = #map}, {transform_indices = #map1}]} {
    %mul3A = arith.constant 16 : i32
    %mul3A_0 = arith.muli %arg0, %mul3A : i32
    %add3A = arith.addi %mul3A_0, %arg1 : i32
    %mul3A_1 = arith.constant 632 : i32
    %mul3A_2 = arith.muli %arg1, %mul3A_1 : i32
    "tpu.region"() ({
      %run_scoped3A_13 = tpu.sem_alloc : memref<!tpu.dma_semaphore, #tpu.memory_space<semaphore_mem>>
      %dma_start3A_14 = arith.constant 0 : i32
      %dma_start3A_15 = tpu.memref_slice %arg2[%mul3A_2, %dma_start3A_14] : memref<10112x16xf32, #tpu.memory_space<hbm>> -> memref<632x16xf32, #tpu.memory_space<hbm>>
      %dma_start3A_16 = arith.constant 0 : i32
      %dma_start3A_17 = tpu.memref_slice %arg2[%mul3A_2, %dma_start3A_16] : memref<10112x16xf32, #tpu.memory_space<hbm>> -> memref<632x16xf32, #tpu.memory_space<hbm>>
      tpu.enqueue_dma source(%dma_start3A_17 : memref<632x16xf32, #tpu.memory_space<hbm>>) target(%arg8 : memref<632x16xf32, #tpu.memory_space<vmem>>) target_semaphore(%run_scoped3A_13 : memref<!tpu.dma_semaphore, #tpu.memory_space<semaphore_mem>>)
      %dma_wait3A_18 = arith.constant 0 : i32
      %dma_wait3A_19 = tpu.memref_slice %arg2[%mul3A_2, %dma_wait3A_18] : memref<10112x16xf32, #tpu.memory_space<hbm>> -> memref<632x16xf32, #tpu.memory_space<hbm>>
      %dma_wait3A_20 = arith.constant 0 : i32
      %dma_wait3A_21 = tpu.memref_slice %arg2[%mul3A_2, %dma_wait3A_20] : memref<10112x16xf32, #tpu.memory_space<hbm>> -> memref<632x16xf32, #tpu.memory_space<hbm>>
      tpu.wait_dma2 semaphore(%run_scoped3A_13 : memref<!tpu.dma_semaphore, #tpu.memory_space<semaphore_mem>>) src(%dma_wait3A_21 : memref<632x16xf32, #tpu.memory_space<hbm>>) dst(%arg8 : memref<632x16xf32, #tpu.memory_space<vmem>>)
      tpu.yield
    }) : () -> ()
    "tpu.region"() ({
      %run_scoped3A_13 = tpu.sem_alloc : memref<!tpu.dma_semaphore, #tpu.memory_space<semaphore_mem>>
      %dma_start3A_14 = arith.constant 0 : i32
      %dma_start3A_15 = tpu.memref_slice %arg9[%mul3A_2, %dma_start3A_14] : memref<10112x16xf32, #tpu.memory_space<vmem_shared>> -> memref<632x16xf32, #tpu.memory_space<vmem_shared>>
      %dma_start3A_16 = arith.constant 0 : i32
      %dma_start3A_17 = tpu.memref_slice %arg9[%mul3A_2, %dma_start3A_16] : memref<10112x16xf32, #tpu.memory_space<vmem_shared>> -> memref<632x16xf32, #tpu.memory_space<vmem_shared>>
      tpu.enqueue_dma source(%arg8 : memref<632x16xf32, #tpu.memory_space<vmem>>) target(%dma_start3A_17 : memref<632x16xf32, #tpu.memory_space<vmem_shared>>) target_semaphore(%run_scoped3A_13 : memref<!tpu.dma_semaphore, #tpu.memory_space<semaphore_mem>>)
      %dma_wait3A_18 = arith.constant 0 : i32
      %dma_wait3A_19 = tpu.memref_slice %arg9[%mul3A_2, %dma_wait3A_18] : memref<10112x16xf32, #tpu.memory_space<vmem_shared>> -> memref<632x16xf32, #tpu.memory_space<vmem_shared>>
      %dma_wait3A_20 = arith.constant 0 : i32
      %dma_wait3A_21 = tpu.memref_slice %arg9[%mul3A_2, %dma_wait3A_20] : memref<10112x16xf32, #tpu.memory_space<vmem_shared>> -> memref<632x16xf32, #tpu.memory_space<vmem_shared>>
      tpu.wait_dma2 semaphore(%run_scoped3A_13 : memref<!tpu.dma_semaphore, #tpu.memory_space<semaphore_mem>>) src(%arg8 : memref<632x16xf32, #tpu.memory_space<vmem>>) dst(%dma_wait3A_21 : memref<632x16xf32, #tpu.memory_space<vmem_shared>>)
      tpu.yield
    }) : () -> ()
    "tpu.region"() ({
      %run_scoped3A_13 = tpu.sem_alloc : memref<!tpu.dma_semaphore, #tpu.memory_space<semaphore_mem>>
      %dma_start3A_14 = arith.constant 0 : i32
      %dma_start3A_15 = tpu.memref_slice %arg10[%mul3A_2, %dma_start3A_14] : memref<10112x16xf32, #tpu.memory_space<vmem_shared>> -> memref<632x16xf32, #tpu.memory_space<vmem_shared>>
      %dma_start3A_16 = arith.constant 0 : i32
      %dma_start3A_17 = tpu.memref_slice %arg10[%mul3A_2, %dma_start3A_16] : memref<10112x16xf32, #tpu.memory_space<vmem_shared>> -> memref<632x16xf32, #tpu.memory_space<vmem_shared>>
      tpu.enqueue_dma source(%arg8 : memref<632x16xf32, #tpu.memory_space<vmem>>) target(%dma_start3A_17 : memref<632x16xf32, #tpu.memory_space<vmem_shared>>) target_semaphore(%run_scoped3A_13 : memref<!tpu.dma_semaphore, #tpu.memory_space<semaphore_mem>>)
      %dma_wait3A_18 = arith.constant 0 : i32
      %dma_wait3A_19 = tpu.memref_slice %arg10[%mul3A_2, %dma_wait3A_18] : memref<10112x16xf32, #tpu.memory_space<vmem_shared>> -> memref<632x16xf32, #tpu.memory_space<vmem_shared>>
      %dma_wait3A_20 = arith.constant 0 : i32
      %dma_wait3A_21 = tpu.memref_slice %arg10[%mul3A_2, %dma_wait3A_20] : memref<10112x16xf32, #tpu.memory_space<vmem_shared>> -> memref<632x16xf32, #tpu.memory_space<vmem_shared>>
      tpu.wait_dma2 semaphore(%run_scoped3A_13 : memref<!tpu.dma_semaphore, #tpu.memory_space<semaphore_mem>>) src(%arg8 : memref<632x16xf32, #tpu.memory_space<vmem>>) dst(%dma_wait3A_21 : memref<632x16xf32, #tpu.memory_space<vmem_shared>>)
      tpu.yield
    }) : () -> ()
    %mul3A_3 = arith.constant 5000 : i32
    %mul3A_4 = arith.muli %add3A, %mul3A_3 : i32
    %run_scoped3A = arith.constant 0 : i32
    "tpu.region"() ({
      %run_scoped3A_13 = tpu.sem_alloc : memref<!tpu.dma_semaphore, #tpu.memory_space<semaphore_mem>>
      %dma_start3A_14 = tpu.memref_slice %arg3[%run_scoped3A, %mul3A_4] : memref<2x160000xi32, #tpu.memory_space<hbm>> -> memref<1x5000xi32, #tpu.memory_space<hbm>>
      %dma_start3A_15 = tpu.memref_squeeze %dma_start3A_14 : memref<1x5000xi32, #tpu.memory_space<hbm>> -> memref<5000xi32, #tpu.memory_space<hbm>>
      %dma_start3A_16 = tpu.memref_slice %arg3[%run_scoped3A, %mul3A_4] : memref<2x160000xi32, #tpu.memory_space<hbm>> -> memref<1x5000xi32, #tpu.memory_space<hbm>>
      %dma_start3A_17 = tpu.memref_squeeze %dma_start3A_16 : memref<1x5000xi32, #tpu.memory_space<hbm>> -> memref<5000xi32, #tpu.memory_space<hbm>>
      tpu.enqueue_dma source(%dma_start3A_17 : memref<5000xi32, #tpu.memory_space<hbm>>) target(%arg5 : memref<5000xi32, #tpu.memory_space<vmem>>) target_semaphore(%run_scoped3A_13 : memref<!tpu.dma_semaphore, #tpu.memory_space<semaphore_mem>>)
      %dma_wait3A_18 = tpu.memref_slice %arg3[%run_scoped3A, %mul3A_4] : memref<2x160000xi32, #tpu.memory_space<hbm>> -> memref<1x5000xi32, #tpu.memory_space<hbm>>
      %dma_wait3A_19 = tpu.memref_squeeze %dma_wait3A_18 : memref<1x5000xi32, #tpu.memory_space<hbm>> -> memref<5000xi32, #tpu.memory_space<hbm>>
      %dma_wait3A_20 = tpu.memref_slice %arg3[%run_scoped3A, %mul3A_4] : memref<2x160000xi32, #tpu.memory_space<hbm>> -> memref<1x5000xi32, #tpu.memory_space<hbm>>
      %dma_wait3A_21 = tpu.memref_squeeze %dma_wait3A_20 : memref<1x5000xi32, #tpu.memory_space<hbm>> -> memref<5000xi32, #tpu.memory_space<hbm>>
      tpu.wait_dma2 semaphore(%run_scoped3A_13 : memref<!tpu.dma_semaphore, #tpu.memory_space<semaphore_mem>>) src(%dma_wait3A_21 : memref<5000xi32, #tpu.memory_space<hbm>>) dst(%arg5 : memref<5000xi32, #tpu.memory_space<vmem>>)
      tpu.yield
    }) : () -> ()
    %mul3A_5 = arith.constant 5000 : i32
    %mul3A_6 = arith.muli %add3A, %mul3A_5 : i32
    %run_scoped3A_7 = arith.constant 1 : i32
    "tpu.region"() ({
      %run_scoped3A_13 = tpu.sem_alloc : memref<!tpu.dma_semaphore, #tpu.memory_space<semaphore_mem>>
      %dma_start3A_14 = tpu.memref_slice %arg3[%run_scoped3A_7, %mul3A_6] : memref<2x160000xi32, #tpu.memory_space<hbm>> -> memref<1x5000xi32, #tpu.memory_space<hbm>>
      %dma_start3A_15 = tpu.memref_squeeze %dma_start3A_14 : memref<1x5000xi32, #tpu.memory_space<hbm>> -> memref<5000xi32, #tpu.memory_space<hbm>>
      %dma_start3A_16 = tpu.memref_slice %arg3[%run_scoped3A_7, %mul3A_6] : memref<2x160000xi32, #tpu.memory_space<hbm>> -> memref<1x5000xi32, #tpu.memory_space<hbm>>
      %dma_start3A_17 = tpu.memref_squeeze %dma_start3A_16 : memref<1x5000xi32, #tpu.memory_space<hbm>> -> memref<5000xi32, #tpu.memory_space<hbm>>
      tpu.enqueue_dma source(%dma_start3A_17 : memref<5000xi32, #tpu.memory_space<hbm>>) target(%arg6 : memref<5000xi32, #tpu.memory_space<vmem>>) target_semaphore(%run_scoped3A_13 : memref<!tpu.dma_semaphore, #tpu.memory_space<semaphore_mem>>)
      %dma_wait3A_18 = tpu.memref_slice %arg3[%run_scoped3A_7, %mul3A_6] : memref<2x160000xi32, #tpu.memory_space<hbm>> -> memref<1x5000xi32, #tpu.memory_space<hbm>>
      %dma_wait3A_19 = tpu.memref_squeeze %dma_wait3A_18 : memref<1x5000xi32, #tpu.memory_space<hbm>> -> memref<5000xi32, #tpu.memory_space<hbm>>
      %dma_wait3A_20 = tpu.memref_slice %arg3[%run_scoped3A_7, %mul3A_6] : memref<2x160000xi32, #tpu.memory_space<hbm>> -> memref<1x5000xi32, #tpu.memory_space<hbm>>
      %dma_wait3A_21 = tpu.memref_squeeze %dma_wait3A_20 : memref<1x5000xi32, #tpu.memory_space<hbm>> -> memref<5000xi32, #tpu.memory_space<hbm>>
      tpu.wait_dma2 semaphore(%run_scoped3A_13 : memref<!tpu.dma_semaphore, #tpu.memory_space<semaphore_mem>>) src(%dma_wait3A_21 : memref<5000xi32, #tpu.memory_space<hbm>>) dst(%arg6 : memref<5000xi32, #tpu.memory_space<vmem>>)
      tpu.yield
    }) : () -> ()
    %barrier3A = arith.constant 0 : index
    tpu.barrier barrier_id(%barrier3A)
    %dma_start3A = arith.constant 0 : i32
    %dma_start3A_8 = arith.constant 0 : i32
    %dma_start3A_9 = tpu.memref_slice %arg10[%dma_start3A, %dma_start3A_8] : memref<10112x16xf32, #tpu.memory_space<vmem_shared>> -> memref<10112x16xf32, #tpu.memory_space<vmem_shared>>
    tpu.enqueue_indirect_dma source(%dma_start3A_9 : memref<10112x16xf32, #tpu.memory_space<vmem_shared>>) target(%arg7 : memref<5000x16xf32, #tpu.memory_space<vmem>>) offsets(%arg5 : memref<5000xi32, #tpu.memory_space<vmem>>) semaphore(%arg11 : memref<!tpu.dma_semaphore, #tpu.memory_space<semaphore_mem>>)
    %dma_wait3A = arith.constant 0 : i32
    %dma_wait3A_10 = arith.constant 0 : i32
    %dma_wait3A_11 = tpu.memref_slice %arg10[%dma_wait3A, %dma_wait3A_10] : memref<10112x16xf32, #tpu.memory_space<vmem_shared>> -> memref<10112x16xf32, #tpu.memory_space<vmem_shared>>
    tpu.wait_indirect_dma semaphore(%arg11 : memref<!tpu.dma_semaphore, #tpu.memory_space<semaphore_mem>>) src(%dma_wait3A_11 : memref<10112x16xf32, #tpu.memory_space<vmem_shared>>) dst(%arg7 : memref<5000x16xf32, #tpu.memory_space<vmem>>)
    "tpu.region"() ({
      %run_scoped3A_13 = tpu.sem_alloc : memref<!tpu.dma_semaphore, #tpu.memory_space<semaphore_mem>>
      %dma_start3A_14 = arith.constant 0 : i32
      %dma_start3A_15 = arith.constant 0 : i32
      %dma_start3A_16 = tpu.memref_slice %arg9[%dma_start3A_14, %dma_start3A_15] : memref<10112x16xf32, #tpu.memory_space<vmem_shared>> -> memref<10112x16xf32, #tpu.memory_space<vmem_shared>>
      tpu.enqueue_indirect_dma source(%arg7 : memref<5000x16xf32, #tpu.memory_space<vmem>>) target(%dma_start3A_16 : memref<10112x16xf32, #tpu.memory_space<vmem_shared>>) offsets(%arg6 : memref<5000xi32, #tpu.memory_space<vmem>>) semaphore(%run_scoped3A_13 : memref<!tpu.dma_semaphore, #tpu.memory_space<semaphore_mem>>) {add = true}
      %dma_wait3A_17 = arith.constant 0 : i32
      %dma_wait3A_18 = arith.constant 0 : i32
      %dma_wait3A_19 = tpu.memref_slice %arg9[%dma_wait3A_17, %dma_wait3A_18] : memref<10112x16xf32, #tpu.memory_space<vmem_shared>> -> memref<10112x16xf32, #tpu.memory_space<vmem_shared>>
      tpu.wait_indirect_dma semaphore(%run_scoped3A_13 : memref<!tpu.dma_semaphore, #tpu.memory_space<semaphore_mem>>) src(%arg7 : memref<5000x16xf32, #tpu.memory_space<vmem>>) dst(%dma_wait3A_19 : memref<10112x16xf32, #tpu.memory_space<vmem_shared>>)
      tpu.yield
    }) : () -> ()
    %barrier3A_12 = arith.constant 0 : index
    tpu.barrier barrier_id(%barrier3A_12)
    "tpu.region"() ({
      %run_scoped3A_13 = tpu.sem_alloc : memref<!tpu.dma_semaphore, #tpu.memory_space<semaphore_mem>>
      %dma_start3A_14 = arith.constant 0 : i32
      %dma_start3A_15 = tpu.memref_slice %arg4[%arg0, %mul3A_2, %dma_start3A_14] : memref<2x10112x16xf32, #tpu.memory_space<hbm>> -> memref<1x632x16xf32, #tpu.memory_space<hbm>>
      %dma_start3A_16 = tpu.memref_squeeze %dma_start3A_15 : memref<1x632x16xf32, #tpu.memory_space<hbm>> -> memref<632x16xf32, #tpu.memory_space<hbm>>
      %dma_start3A_17 = arith.constant 0 : i32
      %dma_start3A_18 = tpu.memref_slice %arg9[%mul3A_2, %dma_start3A_17] : memref<10112x16xf32, #tpu.memory_space<vmem_shared>> -> memref<632x16xf32, #tpu.memory_space<vmem_shared>>
      tpu.enqueue_dma source(%dma_start3A_18 : memref<632x16xf32, #tpu.memory_space<vmem_shared>>) target(%dma_start3A_16 : memref<632x16xf32, #tpu.memory_space<hbm>>) target_semaphore(%run_scoped3A_13 : memref<!tpu.dma_semaphore, #tpu.memory_space<semaphore_mem>>)
      %dma_wait3A_19 = arith.constant 0 : i32
      %dma_wait3A_20 = tpu.memref_slice %arg4[%arg0, %mul3A_2, %dma_wait3A_19] : memref<2x10112x16xf32, #tpu.memory_space<hbm>> -> memref<1x632x16xf32, #tpu.memory_space<hbm>>
      %dma_wait3A_21 = tpu.memref_squeeze %dma_wait3A_20 : memref<1x632x16xf32, #tpu.memory_space<hbm>> -> memref<632x16xf32, #tpu.memory_space<hbm>>
      %dma_wait3A_22 = arith.constant 0 : i32
      %dma_wait3A_23 = tpu.memref_slice %arg9[%mul3A_2, %dma_wait3A_22] : memref<10112x16xf32, #tpu.memory_space<vmem_shared>> -> memref<632x16xf32, #tpu.memory_space<vmem_shared>>
      tpu.wait_dma2 semaphore(%run_scoped3A_13 : memref<!tpu.dma_semaphore, #tpu.memory_space<semaphore_mem>>) src(%dma_wait3A_23 : memref<632x16xf32, #tpu.memory_space<vmem_shared>>) dst(%dma_wait3A_21 : memref<632x16xf32, #tpu.memory_space<hbm>>)
      tpu.yield
    }) : () -> ()
    return
  }
}

#map = affine_map<(d0, d1) -> (0, 0)>
#map1 = affine_map<(d0, d1) -> (0, 0, 0)>
module attributes {stable_mosaic.version = 14 : i64} {
  func.func @_agg_body(%arg0: i32, %arg1: i32, %arg2: memref<10112x16xf32, #tpu.memory_space<hbm>>, %arg3: memref<2x160000xi32, #tpu.memory_space<hbm>>, %arg4: memref<2x10112x16xf32, #tpu.memory_space<hbm>>, %arg5: memref<5000xi32, #tpu.memory_space<vmem>>, %arg6: memref<5000xi32, #tpu.memory_space<vmem>>, %arg7: memref<5000x16xf32, #tpu.memory_space<vmem>>, %arg8: memref<632x16xf32, #tpu.memory_space<vmem>>, %arg9: memref<10112x16xf32, #tpu.memory_space<vmem_shared>>, %arg10: memref<10112x16xf32, #tpu.memory_space<vmem_shared>>, %arg11: memref<!tpu.dma_semaphore, #tpu.memory_space<semaphore_mem>>) attributes {dimension_semantics = [#tpu.dimension_semantics<core_parallel>, #tpu.dimension_semantics<subcore_parallel>], iteration_bounds = array<i64: 2, 16>, scalar_prefetch = 0 : i64, scratch_operands = 7 : i64, tpu.core_type = #tpu.core_type<sc_vector_subcore>, window_params = [{transform_indices = #map}, {transform_indices = #map}, {transform_indices = #map1}]} {
    %mul3A = arith.constant 16 : i32
    %mul3A_0 = arith.muli %arg0, %mul3A : i32
    %add3A = arith.addi %mul3A_0, %arg1 : i32
    %mul3A_1 = arith.constant 632 : i32
    %mul3A_2 = arith.muli %arg1, %mul3A_1 : i32
    "tpu.region"() ({
      %run_scoped3A_13 = tpu.sem_alloc : memref<!tpu.dma_semaphore, #tpu.memory_space<semaphore_mem>>
      %dma_start3A_14 = arith.constant 0 : i32
      %dma_start3A_15 = tpu.memref_slice %arg2[%mul3A_2, %dma_start3A_14] : memref<10112x16xf32, #tpu.memory_space<hbm>> -> memref<632x16xf32, #tpu.memory_space<hbm>>
      %dma_start3A_16 = arith.constant 0 : i32
      %dma_start3A_17 = tpu.memref_slice %arg2[%mul3A_2, %dma_start3A_16] : memref<10112x16xf32, #tpu.memory_space<hbm>> -> memref<632x16xf32, #tpu.memory_space<hbm>>
      tpu.enqueue_dma source(%dma_start3A_17 : memref<632x16xf32, #tpu.memory_space<hbm>>) target(%arg8 : memref<632x16xf32, #tpu.memory_space<vmem>>) target_semaphore(%run_scoped3A_13 : memref<!tpu.dma_semaphore, #tpu.memory_space<semaphore_mem>>)
      %dma_wait3A_18 = arith.constant 0 : i32
      %dma_wait3A_19 = tpu.memref_slice %arg2[%mul3A_2, %dma_wait3A_18] : memref<10112x16xf32, #tpu.memory_space<hbm>> -> memref<632x16xf32, #tpu.memory_space<hbm>>
      %dma_wait3A_20 = arith.constant 0 : i32
      %dma_wait3A_21 = tpu.memref_slice %arg2[%mul3A_2, %dma_wait3A_20] : memref<10112x16xf32, #tpu.memory_space<hbm>> -> memref<632x16xf32, #tpu.memory_space<hbm>>
      tpu.wait_dma2 semaphore(%run_scoped3A_13 : memref<!tpu.dma_semaphore, #tpu.memory_space<semaphore_mem>>) src(%dma_wait3A_21 : memref<632x16xf32, #tpu.memory_space<hbm>>) dst(%arg8 : memref<632x16xf32, #tpu.memory_space<vmem>>)
      tpu.yield
    }) : () -> ()
    "tpu.region"() ({
      %run_scoped3A_13 = tpu.sem_alloc : memref<!tpu.dma_semaphore, #tpu.memory_space<semaphore_mem>>
      %dma_start3A_14 = arith.constant 0 : i32
      %dma_start3A_15 = tpu.memref_slice %arg9[%mul3A_2, %dma_start3A_14] : memref<10112x16xf32, #tpu.memory_space<vmem_shared>> -> memref<632x16xf32, #tpu.memory_space<vmem_shared>>
      %dma_start3A_16 = arith.constant 0 : i32
      %dma_start3A_17 = tpu.memref_slice %arg9[%mul3A_2, %dma_start3A_16] : memref<10112x16xf32, #tpu.memory_space<vmem_shared>> -> memref<632x16xf32, #tpu.memory_space<vmem_shared>>
      tpu.enqueue_dma source(%arg8 : memref<632x16xf32, #tpu.memory_space<vmem>>) target(%dma_start3A_17 : memref<632x16xf32, #tpu.memory_space<vmem_shared>>) target_semaphore(%run_scoped3A_13 : memref<!tpu.dma_semaphore, #tpu.memory_space<semaphore_mem>>)
      %dma_wait3A_18 = arith.constant 0 : i32
      %dma_wait3A_19 = tpu.memref_slice %arg9[%mul3A_2, %dma_wait3A_18] : memref<10112x16xf32, #tpu.memory_space<vmem_shared>> -> memref<632x16xf32, #tpu.memory_space<vmem_shared>>
      %dma_wait3A_20 = arith.constant 0 : i32
      %dma_wait3A_21 = tpu.memref_slice %arg9[%mul3A_2, %dma_wait3A_20] : memref<10112x16xf32, #tpu.memory_space<vmem_shared>> -> memref<632x16xf32, #tpu.memory_space<vmem_shared>>
      tpu.wait_dma2 semaphore(%run_scoped3A_13 : memref<!tpu.dma_semaphore, #tpu.memory_space<semaphore_mem>>) src(%arg8 : memref<632x16xf32, #tpu.memory_space<vmem>>) dst(%dma_wait3A_21 : memref<632x16xf32, #tpu.memory_space<vmem_shared>>)
      tpu.yield
    }) : () -> ()
    "tpu.region"() ({
      %run_scoped3A_13 = tpu.sem_alloc : memref<!tpu.dma_semaphore, #tpu.memory_space<semaphore_mem>>
      %dma_start3A_14 = arith.constant 0 : i32
      %dma_start3A_15 = tpu.memref_slice %arg10[%mul3A_2, %dma_start3A_14] : memref<10112x16xf32, #tpu.memory_space<vmem_shared>> -> memref<632x16xf32, #tpu.memory_space<vmem_shared>>
      %dma_start3A_16 = arith.constant 0 : i32
      %dma_start3A_17 = tpu.memref_slice %arg10[%mul3A_2, %dma_start3A_16] : memref<10112x16xf32, #tpu.memory_space<vmem_shared>> -> memref<632x16xf32, #tpu.memory_space<vmem_shared>>
      tpu.enqueue_dma source(%arg8 : memref<632x16xf32, #tpu.memory_space<vmem>>) target(%dma_start3A_17 : memref<632x16xf32, #tpu.memory_space<vmem_shared>>) target_semaphore(%run_scoped3A_13 : memref<!tpu.dma_semaphore, #tpu.memory_space<semaphore_mem>>)
      %dma_wait3A_18 = arith.constant 0 : i32
      %dma_wait3A_19 = tpu.memref_slice %arg10[%mul3A_2, %dma_wait3A_18] : memref<10112x16xf32, #tpu.memory_space<vmem_shared>> -> memref<632x16xf32, #tpu.memory_space<vmem_shared>>
      %dma_wait3A_20 = arith.constant 0 : i32
      %dma_wait3A_21 = tpu.memref_slice %arg10[%mul3A_2, %dma_wait3A_20] : memref<10112x16xf32, #tpu.memory_space<vmem_shared>> -> memref<632x16xf32, #tpu.memory_space<vmem_shared>>
      tpu.wait_dma2 semaphore(%run_scoped3A_13 : memref<!tpu.dma_semaphore, #tpu.memory_space<semaphore_mem>>) src(%arg8 : memref<632x16xf32, #tpu.memory_space<vmem>>) dst(%dma_wait3A_21 : memref<632x16xf32, #tpu.memory_space<vmem_shared>>)
      tpu.yield
    }) : () -> ()
    %mul3A_3 = arith.constant 5000 : i32
    %mul3A_4 = arith.muli %add3A, %mul3A_3 : i32
    %run_scoped3A = arith.constant 0 : i32
    "tpu.region"() ({
      %run_scoped3A_13 = tpu.sem_alloc : memref<!tpu.dma_semaphore, #tpu.memory_space<semaphore_mem>>
      %dma_start3A_14 = tpu.memref_slice %arg3[%run_scoped3A, %mul3A_4] : memref<2x160000xi32, #tpu.memory_space<hbm>> -> memref<1x5000xi32, #tpu.memory_space<hbm>>
      %dma_start3A_15 = tpu.memref_squeeze %dma_start3A_14 : memref<1x5000xi32, #tpu.memory_space<hbm>> -> memref<5000xi32, #tpu.memory_space<hbm>>
      %dma_start3A_16 = tpu.memref_slice %arg3[%run_scoped3A, %mul3A_4] : memref<2x160000xi32, #tpu.memory_space<hbm>> -> memref<1x5000xi32, #tpu.memory_space<hbm>>
      %dma_start3A_17 = tpu.memref_squeeze %dma_start3A_16 : memref<1x5000xi32, #tpu.memory_space<hbm>> -> memref<5000xi32, #tpu.memory_space<hbm>>
      tpu.enqueue_dma source(%dma_start3A_17 : memref<5000xi32, #tpu.memory_space<hbm>>) target(%arg5 : memref<5000xi32, #tpu.memory_space<vmem>>) target_semaphore(%run_scoped3A_13 : memref<!tpu.dma_semaphore, #tpu.memory_space<semaphore_mem>>)
      %dma_wait3A_18 = tpu.memref_slice %arg3[%run_scoped3A, %mul3A_4] : memref<2x160000xi32, #tpu.memory_space<hbm>> -> memref<1x5000xi32, #tpu.memory_space<hbm>>
      %dma_wait3A_19 = tpu.memref_squeeze %dma_wait3A_18 : memref<1x5000xi32, #tpu.memory_space<hbm>> -> memref<5000xi32, #tpu.memory_space<hbm>>
      %dma_wait3A_20 = tpu.memref_slice %arg3[%run_scoped3A, %mul3A_4] : memref<2x160000xi32, #tpu.memory_space<hbm>> -> memref<1x5000xi32, #tpu.memory_space<hbm>>
      %dma_wait3A_21 = tpu.memref_squeeze %dma_wait3A_20 : memref<1x5000xi32, #tpu.memory_space<hbm>> -> memref<5000xi32, #tpu.memory_space<hbm>>
      tpu.wait_dma2 semaphore(%run_scoped3A_13 : memref<!tpu.dma_semaphore, #tpu.memory_space<semaphore_mem>>) src(%dma_wait3A_21 : memref<5000xi32, #tpu.memory_space<hbm>>) dst(%arg5 : memref<5000xi32, #tpu.memory_space<vmem>>)
      tpu.yield
    }) : () -> ()
    %mul3A_5 = arith.constant 5000 : i32
    %mul3A_6 = arith.muli %add3A, %mul3A_5 : i32
    %run_scoped3A_7 = arith.constant 1 : i32
    "tpu.region"() ({
      %run_scoped3A_13 = tpu.sem_alloc : memref<!tpu.dma_semaphore, #tpu.memory_space<semaphore_mem>>
      %dma_start3A_14 = tpu.memref_slice %arg3[%run_scoped3A_7, %mul3A_6] : memref<2x160000xi32, #tpu.memory_space<hbm>> -> memref<1x5000xi32, #tpu.memory_space<hbm>>
      %dma_start3A_15 = tpu.memref_squeeze %dma_start3A_14 : memref<1x5000xi32, #tpu.memory_space<hbm>> -> memref<5000xi32, #tpu.memory_space<hbm>>
      %dma_start3A_16 = tpu.memref_slice %arg3[%run_scoped3A_7, %mul3A_6] : memref<2x160000xi32, #tpu.memory_space<hbm>> -> memref<1x5000xi32, #tpu.memory_space<hbm>>
      %dma_start3A_17 = tpu.memref_squeeze %dma_start3A_16 : memref<1x5000xi32, #tpu.memory_space<hbm>> -> memref<5000xi32, #tpu.memory_space<hbm>>
      tpu.enqueue_dma source(%dma_start3A_17 : memref<5000xi32, #tpu.memory_space<hbm>>) target(%arg6 : memref<5000xi32, #tpu.memory_space<vmem>>) target_semaphore(%run_scoped3A_13 : memref<!tpu.dma_semaphore, #tpu.memory_space<semaphore_mem>>)
      %dma_wait3A_18 = tpu.memref_slice %arg3[%run_scoped3A_7, %mul3A_6] : memref<2x160000xi32, #tpu.memory_space<hbm>> -> memref<1x5000xi32, #tpu.memory_space<hbm>>
      %dma_wait3A_19 = tpu.memref_squeeze %dma_wait3A_18 : memref<1x5000xi32, #tpu.memory_space<hbm>> -> memref<5000xi32, #tpu.memory_space<hbm>>
      %dma_wait3A_20 = tpu.memref_slice %arg3[%run_scoped3A_7, %mul3A_6] : memref<2x160000xi32, #tpu.memory_space<hbm>> -> memref<1x5000xi32, #tpu.memory_space<hbm>>
      %dma_wait3A_21 = tpu.memref_squeeze %dma_wait3A_20 : memref<1x5000xi32, #tpu.memory_space<hbm>> -> memref<5000xi32, #tpu.memory_space<hbm>>
      tpu.wait_dma2 semaphore(%run_scoped3A_13 : memref<!tpu.dma_semaphore, #tpu.memory_space<semaphore_mem>>) src(%dma_wait3A_21 : memref<5000xi32, #tpu.memory_space<hbm>>) dst(%arg6 : memref<5000xi32, #tpu.memory_space<vmem>>)
      tpu.yield
    }) : () -> ()
    %barrier3A = arith.constant 0 : index
    tpu.barrier barrier_id(%barrier3A)
    %dma_start3A = arith.constant 0 : i32
    %dma_start3A_8 = arith.constant 0 : i32
    %dma_start3A_9 = tpu.memref_slice %arg10[%dma_start3A, %dma_start3A_8] : memref<10112x16xf32, #tpu.memory_space<vmem_shared>> -> memref<10112x16xf32, #tpu.memory_space<vmem_shared>>
    tpu.enqueue_indirect_dma source(%dma_start3A_9 : memref<10112x16xf32, #tpu.memory_space<vmem_shared>>) target(%arg7 : memref<5000x16xf32, #tpu.memory_space<vmem>>) offsets(%arg5 : memref<5000xi32, #tpu.memory_space<vmem>>) semaphore(%arg11 : memref<!tpu.dma_semaphore, #tpu.memory_space<semaphore_mem>>)
    %dma_wait3A = arith.constant 0 : i32
    %dma_wait3A_10 = arith.constant 0 : i32
    %dma_wait3A_11 = tpu.memref_slice %arg10[%dma_wait3A, %dma_wait3A_10] : memref<10112x16xf32, #tpu.memory_space<vmem_shared>> -> memref<10112x16xf32, #tpu.memory_space<vmem_shared>>
    tpu.wait_indirect_dma semaphore(%arg11 : memref<!tpu.dma_semaphore, #tpu.memory_space<semaphore_mem>>) src(%dma_wait3A_11 : memref<10112x16xf32, #tpu.memory_space<vmem_shared>>) dst(%arg7 : memref<5000x16xf32, #tpu.memory_space<vmem>>)
    "tpu.region"() ({
      %run_scoped3A_13 = tpu.sem_alloc : memref<!tpu.dma_semaphore, #tpu.memory_space<semaphore_mem>>
      %dma_start3A_14 = arith.constant 0 : i32
      %dma_start3A_15 = arith.constant 0 : i32
      %dma_start3A_16 = tpu.memref_slice %arg9[%dma_start3A_14, %dma_start3A_15] : memref<10112x16xf32, #tpu.memory_space<vmem_shared>> -> memref<10112x16xf32, #tpu.memory_space<vmem_shared>>
      tpu.enqueue_indirect_dma source(%arg7 : memref<5000x16xf32, #tpu.memory_space<vmem>>) target(%dma_start3A_16 : memref<10112x16xf32, #tpu.memory_space<vmem_shared>>) offsets(%arg6 : memref<5000xi32, #tpu.memory_space<vmem>>) semaphore(%run_scoped3A_13 : memref<!tpu.dma_semaphore, #tpu.memory_space<semaphore_mem>>) {add = true}
      %dma_wait3A_17 = arith.constant 0 : i32
      %dma_wait3A_18 = arith.constant 0 : i32
      %dma_wait3A_19 = tpu.memref_slice %arg9[%dma_wait3A_17, %dma_wait3A_18] : memref<10112x16xf32, #tpu.memory_space<vmem_shared>> -> memref<10112x16xf32, #tpu.memory_space<vmem_shared>>
      tpu.wait_indirect_dma semaphore(%run_scoped3A_13 : memref<!tpu.dma_semaphore, #tpu.memory_space<semaphore_mem>>) src(%arg7 : memref<5000x16xf32, #tpu.memory_space<vmem>>) dst(%dma_wait3A_19 : memref<10112x16xf32, #tpu.memory_space<vmem_shared>>)
      tpu.yield
    }) : () -> ()
    %barrier3A_12 = arith.constant 0 : index
    tpu.barrier barrier_id(%barrier3A_12)
    "tpu.region"() ({
      %run_scoped3A_13 = tpu.sem_alloc : memref<!tpu.dma_semaphore, #tpu.memory_space<semaphore_mem>>
      %dma_start3A_14 = arith.constant 0 : i32
      %dma_start3A_15 = tpu.memref_slice %arg4[%arg0, %mul3A_2, %dma_start3A_14] : memref<2x10112x16xf32, #tpu.memory_space<hbm>> -> memref<1x632x16xf32, #tpu.memory_space<hbm>>
      %dma_start3A_16 = tpu.memref_squeeze %dma_start3A_15 : memref<1x632x16xf32, #tpu.memory_space<hbm>> -> memref<632x16xf32, #tpu.memory_space<hbm>>
      %dma_start3A_17 = arith.constant 0 : i32
      %dma_start3A_18 = tpu.memref_slice %arg9[%mul3A_2, %dma_start3A_17] : memref<10112x16xf32, #tpu.memory_space<vmem_shared>> -> memref<632x16xf32, #tpu.memory_space<vmem_shared>>
      tpu.enqueue_dma source(%dma_start3A_18 : memref<632x16xf32, #tpu.memory_space<vmem_shared>>) target(%dma_start3A_16 : memref<632x16xf32, #tpu.memory_space<hbm>>) target_semaphore(%run_scoped3A_13 : memref<!tpu.dma_semaphore, #tpu.memory_space<semaphore_mem>>)
      %dma_wait3A_19 = arith.constant 0 : i32
      %dma_wait3A_20 = tpu.memref_slice %arg4[%arg0, %mul3A_2, %dma_wait3A_19] : memref<2x10112x16xf32, #tpu.memory_space<hbm>> -> memref<1x632x16xf32, #tpu.memory_space<hbm>>
      %dma_wait3A_21 = tpu.memref_squeeze %dma_wait3A_20 : memref<1x632x16xf32, #tpu.memory_space<hbm>> -> memref<632x16xf32, #tpu.memory_space<hbm>>
      %dma_wait3A_22 = arith.constant 0 : i32
      %dma_wait3A_23 = tpu.memref_slice %arg9[%mul3A_2, %dma_wait3A_22] : memref<10112x16xf32, #tpu.memory_space<vmem_shared>> -> memref<632x16xf32, #tpu.memory_space<vmem_shared>>
      tpu.wait_dma2 semaphore(%run_scoped3A_13 : memref<!tpu.dma_semaphore, #tpu.memory_space<semaphore_mem>>) src(%dma_wait3A_23 : memref<632x16xf32, #tpu.memory_space<vmem_shared>>) dst(%dma_wait3A_21 : memref<632x16xf32, #tpu.memory_space<hbm>>)
      tpu.yield
    }) : () -> ()
    return
  }
}

#map = affine_map<(d0, d1) -> (0, 0)>
#map1 = affine_map<(d0, d1) -> (0, 0, 0)>
module attributes {stable_mosaic.version = 14 : i64} {
  func.func @_agg_body(%arg0: i32, %arg1: i32, %arg2: memref<10112x16xf32, #tpu.memory_space<hbm>>, %arg3: memref<2x160000xi32, #tpu.memory_space<hbm>>, %arg4: memref<2x10112x16xf32, #tpu.memory_space<hbm>>, %arg5: memref<5000xi32, #tpu.memory_space<vmem>>, %arg6: memref<5000xi32, #tpu.memory_space<vmem>>, %arg7: memref<5000x16xf32, #tpu.memory_space<vmem>>, %arg8: memref<632x16xf32, #tpu.memory_space<vmem>>, %arg9: memref<10112x16xf32, #tpu.memory_space<vmem_shared>>, %arg10: memref<10112x16xf32, #tpu.memory_space<vmem_shared>>, %arg11: memref<!tpu.dma_semaphore, #tpu.memory_space<semaphore_mem>>) attributes {dimension_semantics = [#tpu.dimension_semantics<core_parallel>, #tpu.dimension_semantics<subcore_parallel>], iteration_bounds = array<i64: 2, 16>, scalar_prefetch = 0 : i64, scratch_operands = 7 : i64, tpu.core_type = #tpu.core_type<sc_vector_subcore>, window_params = [{transform_indices = #map}, {transform_indices = #map}, {transform_indices = #map1}]} {
    %mul3A = arith.constant 16 : i32
    %mul3A_0 = arith.muli %arg0, %mul3A : i32
    %add3A = arith.addi %mul3A_0, %arg1 : i32
    %mul3A_1 = arith.constant 632 : i32
    %mul3A_2 = arith.muli %arg1, %mul3A_1 : i32
    "tpu.region"() ({
      %run_scoped3A_13 = tpu.sem_alloc : memref<!tpu.dma_semaphore, #tpu.memory_space<semaphore_mem>>
      %dma_start3A_14 = arith.constant 0 : i32
      %dma_start3A_15 = tpu.memref_slice %arg2[%mul3A_2, %dma_start3A_14] : memref<10112x16xf32, #tpu.memory_space<hbm>> -> memref<632x16xf32, #tpu.memory_space<hbm>>
      %dma_start3A_16 = arith.constant 0 : i32
      %dma_start3A_17 = tpu.memref_slice %arg2[%mul3A_2, %dma_start3A_16] : memref<10112x16xf32, #tpu.memory_space<hbm>> -> memref<632x16xf32, #tpu.memory_space<hbm>>
      tpu.enqueue_dma source(%dma_start3A_17 : memref<632x16xf32, #tpu.memory_space<hbm>>) target(%arg8 : memref<632x16xf32, #tpu.memory_space<vmem>>) target_semaphore(%run_scoped3A_13 : memref<!tpu.dma_semaphore, #tpu.memory_space<semaphore_mem>>)
      %dma_wait3A_18 = arith.constant 0 : i32
      %dma_wait3A_19 = tpu.memref_slice %arg2[%mul3A_2, %dma_wait3A_18] : memref<10112x16xf32, #tpu.memory_space<hbm>> -> memref<632x16xf32, #tpu.memory_space<hbm>>
      %dma_wait3A_20 = arith.constant 0 : i32
      %dma_wait3A_21 = tpu.memref_slice %arg2[%mul3A_2, %dma_wait3A_20] : memref<10112x16xf32, #tpu.memory_space<hbm>> -> memref<632x16xf32, #tpu.memory_space<hbm>>
      tpu.wait_dma2 semaphore(%run_scoped3A_13 : memref<!tpu.dma_semaphore, #tpu.memory_space<semaphore_mem>>) src(%dma_wait3A_21 : memref<632x16xf32, #tpu.memory_space<hbm>>) dst(%arg8 : memref<632x16xf32, #tpu.memory_space<vmem>>)
      tpu.yield
    }) : () -> ()
    "tpu.region"() ({
      %run_scoped3A_13 = tpu.sem_alloc : memref<!tpu.dma_semaphore, #tpu.memory_space<semaphore_mem>>
      %dma_start3A_14 = arith.constant 0 : i32
      %dma_start3A_15 = tpu.memref_slice %arg9[%mul3A_2, %dma_start3A_14] : memref<10112x16xf32, #tpu.memory_space<vmem_shared>> -> memref<632x16xf32, #tpu.memory_space<vmem_shared>>
      %dma_start3A_16 = arith.constant 0 : i32
      %dma_start3A_17 = tpu.memref_slice %arg9[%mul3A_2, %dma_start3A_16] : memref<10112x16xf32, #tpu.memory_space<vmem_shared>> -> memref<632x16xf32, #tpu.memory_space<vmem_shared>>
      tpu.enqueue_dma source(%arg8 : memref<632x16xf32, #tpu.memory_space<vmem>>) target(%dma_start3A_17 : memref<632x16xf32, #tpu.memory_space<vmem_shared>>) target_semaphore(%run_scoped3A_13 : memref<!tpu.dma_semaphore, #tpu.memory_space<semaphore_mem>>)
      %dma_wait3A_18 = arith.constant 0 : i32
      %dma_wait3A_19 = tpu.memref_slice %arg9[%mul3A_2, %dma_wait3A_18] : memref<10112x16xf32, #tpu.memory_space<vmem_shared>> -> memref<632x16xf32, #tpu.memory_space<vmem_shared>>
      %dma_wait3A_20 = arith.constant 0 : i32
      %dma_wait3A_21 = tpu.memref_slice %arg9[%mul3A_2, %dma_wait3A_20] : memref<10112x16xf32, #tpu.memory_space<vmem_shared>> -> memref<632x16xf32, #tpu.memory_space<vmem_shared>>
      tpu.wait_dma2 semaphore(%run_scoped3A_13 : memref<!tpu.dma_semaphore, #tpu.memory_space<semaphore_mem>>) src(%arg8 : memref<632x16xf32, #tpu.memory_space<vmem>>) dst(%dma_wait3A_21 : memref<632x16xf32, #tpu.memory_space<vmem_shared>>)
      tpu.yield
    }) : () -> ()
    "tpu.region"() ({
      %run_scoped3A_13 = tpu.sem_alloc : memref<!tpu.dma_semaphore, #tpu.memory_space<semaphore_mem>>
      %dma_start3A_14 = arith.constant 0 : i32
      %dma_start3A_15 = tpu.memref_slice %arg10[%mul3A_2, %dma_start3A_14] : memref<10112x16xf32, #tpu.memory_space<vmem_shared>> -> memref<632x16xf32, #tpu.memory_space<vmem_shared>>
      %dma_start3A_16 = arith.constant 0 : i32
      %dma_start3A_17 = tpu.memref_slice %arg10[%mul3A_2, %dma_start3A_16] : memref<10112x16xf32, #tpu.memory_space<vmem_shared>> -> memref<632x16xf32, #tpu.memory_space<vmem_shared>>
      tpu.enqueue_dma source(%arg8 : memref<632x16xf32, #tpu.memory_space<vmem>>) target(%dma_start3A_17 : memref<632x16xf32, #tpu.memory_space<vmem_shared>>) target_semaphore(%run_scoped3A_13 : memref<!tpu.dma_semaphore, #tpu.memory_space<semaphore_mem>>)
      %dma_wait3A_18 = arith.constant 0 : i32
      %dma_wait3A_19 = tpu.memref_slice %arg10[%mul3A_2, %dma_wait3A_18] : memref<10112x16xf32, #tpu.memory_space<vmem_shared>> -> memref<632x16xf32, #tpu.memory_space<vmem_shared>>
      %dma_wait3A_20 = arith.constant 0 : i32
      %dma_wait3A_21 = tpu.memref_slice %arg10[%mul3A_2, %dma_wait3A_20] : memref<10112x16xf32, #tpu.memory_space<vmem_shared>> -> memref<632x16xf32, #tpu.memory_space<vmem_shared>>
      tpu.wait_dma2 semaphore(%run_scoped3A_13 : memref<!tpu.dma_semaphore, #tpu.memory_space<semaphore_mem>>) src(%arg8 : memref<632x16xf32, #tpu.memory_space<vmem>>) dst(%dma_wait3A_21 : memref<632x16xf32, #tpu.memory_space<vmem_shared>>)
      tpu.yield
    }) : () -> ()
    %mul3A_3 = arith.constant 5000 : i32
    %mul3A_4 = arith.muli %add3A, %mul3A_3 : i32
    %run_scoped3A = arith.constant 0 : i32
    "tpu.region"() ({
      %run_scoped3A_13 = tpu.sem_alloc : memref<!tpu.dma_semaphore, #tpu.memory_space<semaphore_mem>>
      %dma_start3A_14 = tpu.memref_slice %arg3[%run_scoped3A, %mul3A_4] : memref<2x160000xi32, #tpu.memory_space<hbm>> -> memref<1x5000xi32, #tpu.memory_space<hbm>>
      %dma_start3A_15 = tpu.memref_squeeze %dma_start3A_14 : memref<1x5000xi32, #tpu.memory_space<hbm>> -> memref<5000xi32, #tpu.memory_space<hbm>>
      %dma_start3A_16 = tpu.memref_slice %arg3[%run_scoped3A, %mul3A_4] : memref<2x160000xi32, #tpu.memory_space<hbm>> -> memref<1x5000xi32, #tpu.memory_space<hbm>>
      %dma_start3A_17 = tpu.memref_squeeze %dma_start3A_16 : memref<1x5000xi32, #tpu.memory_space<hbm>> -> memref<5000xi32, #tpu.memory_space<hbm>>
      tpu.enqueue_dma source(%dma_start3A_17 : memref<5000xi32, #tpu.memory_space<hbm>>) target(%arg5 : memref<5000xi32, #tpu.memory_space<vmem>>) target_semaphore(%run_scoped3A_13 : memref<!tpu.dma_semaphore, #tpu.memory_space<semaphore_mem>>)
      %dma_wait3A_18 = tpu.memref_slice %arg3[%run_scoped3A, %mul3A_4] : memref<2x160000xi32, #tpu.memory_space<hbm>> -> memref<1x5000xi32, #tpu.memory_space<hbm>>
      %dma_wait3A_19 = tpu.memref_squeeze %dma_wait3A_18 : memref<1x5000xi32, #tpu.memory_space<hbm>> -> memref<5000xi32, #tpu.memory_space<hbm>>
      %dma_wait3A_20 = tpu.memref_slice %arg3[%run_scoped3A, %mul3A_4] : memref<2x160000xi32, #tpu.memory_space<hbm>> -> memref<1x5000xi32, #tpu.memory_space<hbm>>
      %dma_wait3A_21 = tpu.memref_squeeze %dma_wait3A_20 : memref<1x5000xi32, #tpu.memory_space<hbm>> -> memref<5000xi32, #tpu.memory_space<hbm>>
      tpu.wait_dma2 semaphore(%run_scoped3A_13 : memref<!tpu.dma_semaphore, #tpu.memory_space<semaphore_mem>>) src(%dma_wait3A_21 : memref<5000xi32, #tpu.memory_space<hbm>>) dst(%arg5 : memref<5000xi32, #tpu.memory_space<vmem>>)
      tpu.yield
    }) : () -> ()
    %mul3A_5 = arith.constant 5000 : i32
    %mul3A_6 = arith.muli %add3A, %mul3A_5 : i32
    %run_scoped3A_7 = arith.constant 1 : i32
    "tpu.region"() ({
      %run_scoped3A_13 = tpu.sem_alloc : memref<!tpu.dma_semaphore, #tpu.memory_space<semaphore_mem>>
      %dma_start3A_14 = tpu.memref_slice %arg3[%run_scoped3A_7, %mul3A_6] : memref<2x160000xi32, #tpu.memory_space<hbm>> -> memref<1x5000xi32, #tpu.memory_space<hbm>>
      %dma_start3A_15 = tpu.memref_squeeze %dma_start3A_14 : memref<1x5000xi32, #tpu.memory_space<hbm>> -> memref<5000xi32, #tpu.memory_space<hbm>>
      %dma_start3A_16 = tpu.memref_slice %arg3[%run_scoped3A_7, %mul3A_6] : memref<2x160000xi32, #tpu.memory_space<hbm>> -> memref<1x5000xi32, #tpu.memory_space<hbm>>
      %dma_start3A_17 = tpu.memref_squeeze %dma_start3A_16 : memref<1x5000xi32, #tpu.memory_space<hbm>> -> memref<5000xi32, #tpu.memory_space<hbm>>
      tpu.enqueue_dma source(%dma_start3A_17 : memref<5000xi32, #tpu.memory_space<hbm>>) target(%arg6 : memref<5000xi32, #tpu.memory_space<vmem>>) target_semaphore(%run_scoped3A_13 : memref<!tpu.dma_semaphore, #tpu.memory_space<semaphore_mem>>)
      %dma_wait3A_18 = tpu.memref_slice %arg3[%run_scoped3A_7, %mul3A_6] : memref<2x160000xi32, #tpu.memory_space<hbm>> -> memref<1x5000xi32, #tpu.memory_space<hbm>>
      %dma_wait3A_19 = tpu.memref_squeeze %dma_wait3A_18 : memref<1x5000xi32, #tpu.memory_space<hbm>> -> memref<5000xi32, #tpu.memory_space<hbm>>
      %dma_wait3A_20 = tpu.memref_slice %arg3[%run_scoped3A_7, %mul3A_6] : memref<2x160000xi32, #tpu.memory_space<hbm>> -> memref<1x5000xi32, #tpu.memory_space<hbm>>
      %dma_wait3A_21 = tpu.memref_squeeze %dma_wait3A_20 : memref<1x5000xi32, #tpu.memory_space<hbm>> -> memref<5000xi32, #tpu.memory_space<hbm>>
      tpu.wait_dma2 semaphore(%run_scoped3A_13 : memref<!tpu.dma_semaphore, #tpu.memory_space<semaphore_mem>>) src(%dma_wait3A_21 : memref<5000xi32, #tpu.memory_space<hbm>>) dst(%arg6 : memref<5000xi32, #tpu.memory_space<vmem>>)
      tpu.yield
    }) : () -> ()
    %barrier3A = arith.constant 0 : index
    tpu.barrier barrier_id(%barrier3A)
    %dma_start3A = arith.constant 0 : i32
    %dma_start3A_8 = arith.constant 0 : i32
    %dma_start3A_9 = tpu.memref_slice %arg10[%dma_start3A, %dma_start3A_8] : memref<10112x16xf32, #tpu.memory_space<vmem_shared>> -> memref<10112x16xf32, #tpu.memory_space<vmem_shared>>
    tpu.enqueue_indirect_dma source(%dma_start3A_9 : memref<10112x16xf32, #tpu.memory_space<vmem_shared>>) target(%arg7 : memref<5000x16xf32, #tpu.memory_space<vmem>>) offsets(%arg5 : memref<5000xi32, #tpu.memory_space<vmem>>) semaphore(%arg11 : memref<!tpu.dma_semaphore, #tpu.memory_space<semaphore_mem>>)
    %dma_wait3A = arith.constant 0 : i32
    %dma_wait3A_10 = arith.constant 0 : i32
    %dma_wait3A_11 = tpu.memref_slice %arg10[%dma_wait3A, %dma_wait3A_10] : memref<10112x16xf32, #tpu.memory_space<vmem_shared>> -> memref<10112x16xf32, #tpu.memory_space<vmem_shared>>
    tpu.wait_indirect_dma semaphore(%arg11 : memref<!tpu.dma_semaphore, #tpu.memory_space<semaphore_mem>>) src(%dma_wait3A_11 : memref<10112x16xf32, #tpu.memory_space<vmem_shared>>) dst(%arg7 : memref<5000x16xf32, #tpu.memory_space<vmem>>)
    "tpu.region"() ({
      %run_scoped3A_13 = tpu.sem_alloc : memref<!tpu.dma_semaphore, #tpu.memory_space<semaphore_mem>>
      %dma_start3A_14 = arith.constant 0 : i32
      %dma_start3A_15 = arith.constant 0 : i32
      %dma_start3A_16 = tpu.memref_slice %arg9[%dma_start3A_14, %dma_start3A_15] : memref<10112x16xf32, #tpu.memory_space<vmem_shared>> -> memref<10112x16xf32, #tpu.memory_space<vmem_shared>>
      tpu.enqueue_indirect_dma source(%arg7 : memref<5000x16xf32, #tpu.memory_space<vmem>>) target(%dma_start3A_16 : memref<10112x16xf32, #tpu.memory_space<vmem_shared>>) offsets(%arg6 : memref<5000xi32, #tpu.memory_space<vmem>>) semaphore(%run_scoped3A_13 : memref<!tpu.dma_semaphore, #tpu.memory_space<semaphore_mem>>) {add = true}
      %dma_wait3A_17 = arith.constant 0 : i32
      %dma_wait3A_18 = arith.constant 0 : i32
      %dma_wait3A_19 = tpu.memref_slice %arg9[%dma_wait3A_17, %dma_wait3A_18] : memref<10112x16xf32, #tpu.memory_space<vmem_shared>> -> memref<10112x16xf32, #tpu.memory_space<vmem_shared>>
      tpu.wait_indirect_dma semaphore(%run_scoped3A_13 : memref<!tpu.dma_semaphore, #tpu.memory_space<semaphore_mem>>) src(%arg7 : memref<5000x16xf32, #tpu.memory_space<vmem>>) dst(%dma_wait3A_19 : memref<10112x16xf32, #tpu.memory_space<vmem_shared>>)
      tpu.yield
    }) : () -> ()
    %barrier3A_12 = arith.constant 0 : index
    tpu.barrier barrier_id(%barrier3A_12)
    "tpu.region"() ({
      %run_scoped3A_13 = tpu.sem_alloc : memref<!tpu.dma_semaphore, #tpu.memory_space<semaphore_mem>>
      %dma_start3A_14 = arith.constant 0 : i32
      %dma_start3A_15 = tpu.memref_slice %arg4[%arg0, %mul3A_2, %dma_start3A_14] : memref<2x10112x16xf32, #tpu.memory_space<hbm>> -> memref<1x632x16xf32, #tpu.memory_space<hbm>>
      %dma_start3A_16 = tpu.memref_squeeze %dma_start3A_15 : memref<1x632x16xf32, #tpu.memory_space<hbm>> -> memref<632x16xf32, #tpu.memory_space<hbm>>
      %dma_start3A_17 = arith.constant 0 : i32
      %dma_start3A_18 = tpu.memref_slice %arg9[%mul3A_2, %dma_start3A_17] : memref<10112x16xf32, #tpu.memory_space<vmem_shared>> -> memref<632x16xf32, #tpu.memory_space<vmem_shared>>
      tpu.enqueue_dma source(%dma_start3A_18 : memref<632x16xf32, #tpu.memory_space<vmem_shared>>) target(%dma_start3A_16 : memref<632x16xf32, #tpu.memory_space<hbm>>) target_semaphore(%run_scoped3A_13 : memref<!tpu.dma_semaphore, #tpu.memory_space<semaphore_mem>>)
      %dma_wait3A_19 = arith.constant 0 : i32
      %dma_wait3A_20 = tpu.memref_slice %arg4[%arg0, %mul3A_2, %dma_wait3A_19] : memref<2x10112x16xf32, #tpu.memory_space<hbm>> -> memref<1x632x16xf32, #tpu.memory_space<hbm>>
      %dma_wait3A_21 = tpu.memref_squeeze %dma_wait3A_20 : memref<1x632x16xf32, #tpu.memory_space<hbm>> -> memref<632x16xf32, #tpu.memory_space<hbm>>
      %dma_wait3A_22 = arith.constant 0 : i32
      %dma_wait3A_23 = tpu.memref_slice %arg9[%mul3A_2, %dma_wait3A_22] : memref<10112x16xf32, #tpu.memory_space<vmem_shared>> -> memref<632x16xf32, #tpu.memory_space<vmem_shared>>
      tpu.wait_dma2 semaphore(%run_scoped3A_13 : memref<!tpu.dma_semaphore, #tpu.memory_space<semaphore_mem>>) src(%dma_wait3A_23 : memref<632x16xf32, #tpu.memory_space<vmem_shared>>) dst(%dma_wait3A_21 : memref<632x16xf32, #tpu.memory_space<hbm>>)
      tpu.yield
    }) : () -> ()
    return
  }
}

#map = affine_map<(d0, d1) -> (0, 0)>
#map1 = affine_map<(d0, d1) -> (0, 0, 0)>
module attributes {stable_mosaic.version = 14 : i64} {
  func.func @_agg_body(%arg0: i32, %arg1: i32, %arg2: memref<10112x16xf32, #tpu.memory_space<hbm>>, %arg3: memref<2x160000xi32, #tpu.memory_space<hbm>>, %arg4: memref<2x10112x16xf32, #tpu.memory_space<hbm>>, %arg5: memref<5000xi32, #tpu.memory_space<vmem>>, %arg6: memref<5000xi32, #tpu.memory_space<vmem>>, %arg7: memref<5000x16xf32, #tpu.memory_space<vmem>>, %arg8: memref<632x16xf32, #tpu.memory_space<vmem>>, %arg9: memref<10112x16xf32, #tpu.memory_space<vmem_shared>>, %arg10: memref<10112x16xf32, #tpu.memory_space<vmem_shared>>, %arg11: memref<!tpu.dma_semaphore, #tpu.memory_space<semaphore_mem>>) attributes {dimension_semantics = [#tpu.dimension_semantics<core_parallel>, #tpu.dimension_semantics<subcore_parallel>], iteration_bounds = array<i64: 2, 16>, scalar_prefetch = 0 : i64, scratch_operands = 7 : i64, tpu.core_type = #tpu.core_type<sc_vector_subcore>, window_params = [{transform_indices = #map}, {transform_indices = #map}, {transform_indices = #map1}]} {
    %mul3A = arith.constant 16 : i32
    %mul3A_0 = arith.muli %arg0, %mul3A : i32
    %add3A = arith.addi %mul3A_0, %arg1 : i32
    %mul3A_1 = arith.constant 632 : i32
    %mul3A_2 = arith.muli %arg1, %mul3A_1 : i32
    "tpu.region"() ({
      %run_scoped3A_13 = tpu.sem_alloc : memref<!tpu.dma_semaphore, #tpu.memory_space<semaphore_mem>>
      %dma_start3A_14 = arith.constant 0 : i32
      %dma_start3A_15 = tpu.memref_slice %arg2[%mul3A_2, %dma_start3A_14] : memref<10112x16xf32, #tpu.memory_space<hbm>> -> memref<632x16xf32, #tpu.memory_space<hbm>>
      %dma_start3A_16 = arith.constant 0 : i32
      %dma_start3A_17 = tpu.memref_slice %arg2[%mul3A_2, %dma_start3A_16] : memref<10112x16xf32, #tpu.memory_space<hbm>> -> memref<632x16xf32, #tpu.memory_space<hbm>>
      tpu.enqueue_dma source(%dma_start3A_17 : memref<632x16xf32, #tpu.memory_space<hbm>>) target(%arg8 : memref<632x16xf32, #tpu.memory_space<vmem>>) target_semaphore(%run_scoped3A_13 : memref<!tpu.dma_semaphore, #tpu.memory_space<semaphore_mem>>)
      %dma_wait3A_18 = arith.constant 0 : i32
      %dma_wait3A_19 = tpu.memref_slice %arg2[%mul3A_2, %dma_wait3A_18] : memref<10112x16xf32, #tpu.memory_space<hbm>> -> memref<632x16xf32, #tpu.memory_space<hbm>>
      %dma_wait3A_20 = arith.constant 0 : i32
      %dma_wait3A_21 = tpu.memref_slice %arg2[%mul3A_2, %dma_wait3A_20] : memref<10112x16xf32, #tpu.memory_space<hbm>> -> memref<632x16xf32, #tpu.memory_space<hbm>>
      tpu.wait_dma2 semaphore(%run_scoped3A_13 : memref<!tpu.dma_semaphore, #tpu.memory_space<semaphore_mem>>) src(%dma_wait3A_21 : memref<632x16xf32, #tpu.memory_space<hbm>>) dst(%arg8 : memref<632x16xf32, #tpu.memory_space<vmem>>)
      tpu.yield
    }) : () -> ()
    "tpu.region"() ({
      %run_scoped3A_13 = tpu.sem_alloc : memref<!tpu.dma_semaphore, #tpu.memory_space<semaphore_mem>>
      %dma_start3A_14 = arith.constant 0 : i32
      %dma_start3A_15 = tpu.memref_slice %arg9[%mul3A_2, %dma_start3A_14] : memref<10112x16xf32, #tpu.memory_space<vmem_shared>> -> memref<632x16xf32, #tpu.memory_space<vmem_shared>>
      %dma_start3A_16 = arith.constant 0 : i32
      %dma_start3A_17 = tpu.memref_slice %arg9[%mul3A_2, %dma_start3A_16] : memref<10112x16xf32, #tpu.memory_space<vmem_shared>> -> memref<632x16xf32, #tpu.memory_space<vmem_shared>>
      tpu.enqueue_dma source(%arg8 : memref<632x16xf32, #tpu.memory_space<vmem>>) target(%dma_start3A_17 : memref<632x16xf32, #tpu.memory_space<vmem_shared>>) target_semaphore(%run_scoped3A_13 : memref<!tpu.dma_semaphore, #tpu.memory_space<semaphore_mem>>)
      %dma_wait3A_18 = arith.constant 0 : i32
      %dma_wait3A_19 = tpu.memref_slice %arg9[%mul3A_2, %dma_wait3A_18] : memref<10112x16xf32, #tpu.memory_space<vmem_shared>> -> memref<632x16xf32, #tpu.memory_space<vmem_shared>>
      %dma_wait3A_20 = arith.constant 0 : i32
      %dma_wait3A_21 = tpu.memref_slice %arg9[%mul3A_2, %dma_wait3A_20] : memref<10112x16xf32, #tpu.memory_space<vmem_shared>> -> memref<632x16xf32, #tpu.memory_space<vmem_shared>>
      tpu.wait_dma2 semaphore(%run_scoped3A_13 : memref<!tpu.dma_semaphore, #tpu.memory_space<semaphore_mem>>) src(%arg8 : memref<632x16xf32, #tpu.memory_space<vmem>>) dst(%dma_wait3A_21 : memref<632x16xf32, #tpu.memory_space<vmem_shared>>)
      tpu.yield
    }) : () -> ()
    "tpu.region"() ({
      %run_scoped3A_13 = tpu.sem_alloc : memref<!tpu.dma_semaphore, #tpu.memory_space<semaphore_mem>>
      %dma_start3A_14 = arith.constant 0 : i32
      %dma_start3A_15 = tpu.memref_slice %arg10[%mul3A_2, %dma_start3A_14] : memref<10112x16xf32, #tpu.memory_space<vmem_shared>> -> memref<632x16xf32, #tpu.memory_space<vmem_shared>>
      %dma_start3A_16 = arith.constant 0 : i32
      %dma_start3A_17 = tpu.memref_slice %arg10[%mul3A_2, %dma_start3A_16] : memref<10112x16xf32, #tpu.memory_space<vmem_shared>> -> memref<632x16xf32, #tpu.memory_space<vmem_shared>>
      tpu.enqueue_dma source(%arg8 : memref<632x16xf32, #tpu.memory_space<vmem>>) target(%dma_start3A_17 : memref<632x16xf32, #tpu.memory_space<vmem_shared>>) target_semaphore(%run_scoped3A_13 : memref<!tpu.dma_semaphore, #tpu.memory_space<semaphore_mem>>)
      %dma_wait3A_18 = arith.constant 0 : i32
      %dma_wait3A_19 = tpu.memref_slice %arg10[%mul3A_2, %dma_wait3A_18] : memref<10112x16xf32, #tpu.memory_space<vmem_shared>> -> memref<632x16xf32, #tpu.memory_space<vmem_shared>>
      %dma_wait3A_20 = arith.constant 0 : i32
      %dma_wait3A_21 = tpu.memref_slice %arg10[%mul3A_2, %dma_wait3A_20] : memref<10112x16xf32, #tpu.memory_space<vmem_shared>> -> memref<632x16xf32, #tpu.memory_space<vmem_shared>>
      tpu.wait_dma2 semaphore(%run_scoped3A_13 : memref<!tpu.dma_semaphore, #tpu.memory_space<semaphore_mem>>) src(%arg8 : memref<632x16xf32, #tpu.memory_space<vmem>>) dst(%dma_wait3A_21 : memref<632x16xf32, #tpu.memory_space<vmem_shared>>)
      tpu.yield
    }) : () -> ()
    %mul3A_3 = arith.constant 5000 : i32
    %mul3A_4 = arith.muli %add3A, %mul3A_3 : i32
    %run_scoped3A = arith.constant 0 : i32
    "tpu.region"() ({
      %run_scoped3A_13 = tpu.sem_alloc : memref<!tpu.dma_semaphore, #tpu.memory_space<semaphore_mem>>
      %dma_start3A_14 = tpu.memref_slice %arg3[%run_scoped3A, %mul3A_4] : memref<2x160000xi32, #tpu.memory_space<hbm>> -> memref<1x5000xi32, #tpu.memory_space<hbm>>
      %dma_start3A_15 = tpu.memref_squeeze %dma_start3A_14 : memref<1x5000xi32, #tpu.memory_space<hbm>> -> memref<5000xi32, #tpu.memory_space<hbm>>
      %dma_start3A_16 = tpu.memref_slice %arg3[%run_scoped3A, %mul3A_4] : memref<2x160000xi32, #tpu.memory_space<hbm>> -> memref<1x5000xi32, #tpu.memory_space<hbm>>
      %dma_start3A_17 = tpu.memref_squeeze %dma_start3A_16 : memref<1x5000xi32, #tpu.memory_space<hbm>> -> memref<5000xi32, #tpu.memory_space<hbm>>
      tpu.enqueue_dma source(%dma_start3A_17 : memref<5000xi32, #tpu.memory_space<hbm>>) target(%arg5 : memref<5000xi32, #tpu.memory_space<vmem>>) target_semaphore(%run_scoped3A_13 : memref<!tpu.dma_semaphore, #tpu.memory_space<semaphore_mem>>)
      %dma_wait3A_18 = tpu.memref_slice %arg3[%run_scoped3A, %mul3A_4] : memref<2x160000xi32, #tpu.memory_space<hbm>> -> memref<1x5000xi32, #tpu.memory_space<hbm>>
      %dma_wait3A_19 = tpu.memref_squeeze %dma_wait3A_18 : memref<1x5000xi32, #tpu.memory_space<hbm>> -> memref<5000xi32, #tpu.memory_space<hbm>>
      %dma_wait3A_20 = tpu.memref_slice %arg3[%run_scoped3A, %mul3A_4] : memref<2x160000xi32, #tpu.memory_space<hbm>> -> memref<1x5000xi32, #tpu.memory_space<hbm>>
      %dma_wait3A_21 = tpu.memref_squeeze %dma_wait3A_20 : memref<1x5000xi32, #tpu.memory_space<hbm>> -> memref<5000xi32, #tpu.memory_space<hbm>>
      tpu.wait_dma2 semaphore(%run_scoped3A_13 : memref<!tpu.dma_semaphore, #tpu.memory_space<semaphore_mem>>) src(%dma_wait3A_21 : memref<5000xi32, #tpu.memory_space<hbm>>) dst(%arg5 : memref<5000xi32, #tpu.memory_space<vmem>>)
      tpu.yield
    }) : () -> ()
    %mul3A_5 = arith.constant 5000 : i32
    %mul3A_6 = arith.muli %add3A, %mul3A_5 : i32
    %run_scoped3A_7 = arith.constant 1 : i32
    "tpu.region"() ({
      %run_scoped3A_13 = tpu.sem_alloc : memref<!tpu.dma_semaphore, #tpu.memory_space<semaphore_mem>>
      %dma_start3A_14 = tpu.memref_slice %arg3[%run_scoped3A_7, %mul3A_6] : memref<2x160000xi32, #tpu.memory_space<hbm>> -> memref<1x5000xi32, #tpu.memory_space<hbm>>
      %dma_start3A_15 = tpu.memref_squeeze %dma_start3A_14 : memref<1x5000xi32, #tpu.memory_space<hbm>> -> memref<5000xi32, #tpu.memory_space<hbm>>
      %dma_start3A_16 = tpu.memref_slice %arg3[%run_scoped3A_7, %mul3A_6] : memref<2x160000xi32, #tpu.memory_space<hbm>> -> memref<1x5000xi32, #tpu.memory_space<hbm>>
      %dma_start3A_17 = tpu.memref_squeeze %dma_start3A_16 : memref<1x5000xi32, #tpu.memory_space<hbm>> -> memref<5000xi32, #tpu.memory_space<hbm>>
      tpu.enqueue_dma source(%dma_start3A_17 : memref<5000xi32, #tpu.memory_space<hbm>>) target(%arg6 : memref<5000xi32, #tpu.memory_space<vmem>>) target_semaphore(%run_scoped3A_13 : memref<!tpu.dma_semaphore, #tpu.memory_space<semaphore_mem>>)
      %dma_wait3A_18 = tpu.memref_slice %arg3[%run_scoped3A_7, %mul3A_6] : memref<2x160000xi32, #tpu.memory_space<hbm>> -> memref<1x5000xi32, #tpu.memory_space<hbm>>
      %dma_wait3A_19 = tpu.memref_squeeze %dma_wait3A_18 : memref<1x5000xi32, #tpu.memory_space<hbm>> -> memref<5000xi32, #tpu.memory_space<hbm>>
      %dma_wait3A_20 = tpu.memref_slice %arg3[%run_scoped3A_7, %mul3A_6] : memref<2x160000xi32, #tpu.memory_space<hbm>> -> memref<1x5000xi32, #tpu.memory_space<hbm>>
      %dma_wait3A_21 = tpu.memref_squeeze %dma_wait3A_20 : memref<1x5000xi32, #tpu.memory_space<hbm>> -> memref<5000xi32, #tpu.memory_space<hbm>>
      tpu.wait_dma2 semaphore(%run_scoped3A_13 : memref<!tpu.dma_semaphore, #tpu.memory_space<semaphore_mem>>) src(%dma_wait3A_21 : memref<5000xi32, #tpu.memory_space<hbm>>) dst(%arg6 : memref<5000xi32, #tpu.memory_space<vmem>>)
      tpu.yield
    }) : () -> ()
    %barrier3A = arith.constant 0 : index
    tpu.barrier barrier_id(%barrier3A)
    %dma_start3A = arith.constant 0 : i32
    %dma_start3A_8 = arith.constant 0 : i32
    %dma_start3A_9 = tpu.memref_slice %arg10[%dma_start3A, %dma_start3A_8] : memref<10112x16xf32, #tpu.memory_space<vmem_shared>> -> memref<10112x16xf32, #tpu.memory_space<vmem_shared>>
    tpu.enqueue_indirect_dma source(%dma_start3A_9 : memref<10112x16xf32, #tpu.memory_space<vmem_shared>>) target(%arg7 : memref<5000x16xf32, #tpu.memory_space<vmem>>) offsets(%arg5 : memref<5000xi32, #tpu.memory_space<vmem>>) semaphore(%arg11 : memref<!tpu.dma_semaphore, #tpu.memory_space<semaphore_mem>>)
    %dma_wait3A = arith.constant 0 : i32
    %dma_wait3A_10 = arith.constant 0 : i32
    %dma_wait3A_11 = tpu.memref_slice %arg10[%dma_wait3A, %dma_wait3A_10] : memref<10112x16xf32, #tpu.memory_space<vmem_shared>> -> memref<10112x16xf32, #tpu.memory_space<vmem_shared>>
    tpu.wait_indirect_dma semaphore(%arg11 : memref<!tpu.dma_semaphore, #tpu.memory_space<semaphore_mem>>) src(%dma_wait3A_11 : memref<10112x16xf32, #tpu.memory_space<vmem_shared>>) dst(%arg7 : memref<5000x16xf32, #tpu.memory_space<vmem>>)
    "tpu.region"() ({
      %run_scoped3A_13 = tpu.sem_alloc : memref<!tpu.dma_semaphore, #tpu.memory_space<semaphore_mem>>
      %dma_start3A_14 = arith.constant 0 : i32
      %dma_start3A_15 = arith.constant 0 : i32
      %dma_start3A_16 = tpu.memref_slice %arg9[%dma_start3A_14, %dma_start3A_15] : memref<10112x16xf32, #tpu.memory_space<vmem_shared>> -> memref<10112x16xf32, #tpu.memory_space<vmem_shared>>
      tpu.enqueue_indirect_dma source(%arg7 : memref<5000x16xf32, #tpu.memory_space<vmem>>) target(%dma_start3A_16 : memref<10112x16xf32, #tpu.memory_space<vmem_shared>>) offsets(%arg6 : memref<5000xi32, #tpu.memory_space<vmem>>) semaphore(%run_scoped3A_13 : memref<!tpu.dma_semaphore, #tpu.memory_space<semaphore_mem>>) {add = true}
      %dma_wait3A_17 = arith.constant 0 : i32
      %dma_wait3A_18 = arith.constant 0 : i32
      %dma_wait3A_19 = tpu.memref_slice %arg9[%dma_wait3A_17, %dma_wait3A_18] : memref<10112x16xf32, #tpu.memory_space<vmem_shared>> -> memref<10112x16xf32, #tpu.memory_space<vmem_shared>>
      tpu.wait_indirect_dma semaphore(%run_scoped3A_13 : memref<!tpu.dma_semaphore, #tpu.memory_space<semaphore_mem>>) src(%arg7 : memref<5000x16xf32, #tpu.memory_space<vmem>>) dst(%dma_wait3A_19 : memref<10112x16xf32, #tpu.memory_space<vmem_shared>>)
      tpu.yield
    }) : () -> ()
    %barrier3A_12 = arith.constant 0 : index
    tpu.barrier barrier_id(%barrier3A_12)
    "tpu.region"() ({
      %run_scoped3A_13 = tpu.sem_alloc : memref<!tpu.dma_semaphore, #tpu.memory_space<semaphore_mem>>
      %dma_start3A_14 = arith.constant 0 : i32
      %dma_start3A_15 = tpu.memref_slice %arg4[%arg0, %mul3A_2, %dma_start3A_14] : memref<2x10112x16xf32, #tpu.memory_space<hbm>> -> memref<1x632x16xf32, #tpu.memory_space<hbm>>
      %dma_start3A_16 = tpu.memref_squeeze %dma_start3A_15 : memref<1x632x16xf32, #tpu.memory_space<hbm>> -> memref<632x16xf32, #tpu.memory_space<hbm>>
      %dma_start3A_17 = arith.constant 0 : i32
      %dma_start3A_18 = tpu.memref_slice %arg9[%mul3A_2, %dma_start3A_17] : memref<10112x16xf32, #tpu.memory_space<vmem_shared>> -> memref<632x16xf32, #tpu.memory_space<vmem_shared>>
      tpu.enqueue_dma source(%dma_start3A_18 : memref<632x16xf32, #tpu.memory_space<vmem_shared>>) target(%dma_start3A_16 : memref<632x16xf32, #tpu.memory_space<hbm>>) target_semaphore(%run_scoped3A_13 : memref<!tpu.dma_semaphore, #tpu.memory_space<semaphore_mem>>)
      %dma_wait3A_19 = arith.constant 0 : i32
      %dma_wait3A_20 = tpu.memref_slice %arg4[%arg0, %mul3A_2, %dma_wait3A_19] : memref<2x10112x16xf32, #tpu.memory_space<hbm>> -> memref<1x632x16xf32, #tpu.memory_space<hbm>>
      %dma_wait3A_21 = tpu.memref_squeeze %dma_wait3A_20 : memref<1x632x16xf32, #tpu.memory_space<hbm>> -> memref<632x16xf32, #tpu.memory_space<hbm>>
      %dma_wait3A_22 = arith.constant 0 : i32
      %dma_wait3A_23 = tpu.memref_slice %arg9[%mul3A_2, %dma_wait3A_22] : memref<10112x16xf32, #tpu.memory_space<vmem_shared>> -> memref<632x16xf32, #tpu.memory_space<vmem_shared>>
      tpu.wait_dma2 semaphore(%run_scoped3A_13 : memref<!tpu.dma_semaphore, #tpu.memory_space<semaphore_mem>>) src(%dma_wait3A_23 : memref<632x16xf32, #tpu.memory_space<vmem_shared>>) dst(%dma_wait3A_21 : memref<632x16xf32, #tpu.memory_space<hbm>>)
      tpu.yield
    }) : () -> ()
    return
  }
}

module attributes {stable_mosaic.version = 14 : i64} {
  func.func @_tc1a_body(%arg0: memref<10000x500xf32, #tpu.memory_space<vmem>>, %arg1: memref<500x16xf32, #tpu.memory_space<vmem>>, %arg2: memref<10000x16xf32, #tpu.memory_space<vmem>>) attributes {dimension_semantics = [], scalar_prefetch = 0 : i64, scratch_operands = 0 : i64, tpu.core_type = #tpu.core_type<tc>} {
    %get3A = arith.constant 0 : index
    %get3A_0 = arith.constant 0 : index
    %get3A_1 = vector.load %arg0[%get3A, %get3A_0] : memref<10000x500xf32, #tpu.memory_space<vmem>>, vector<10000x500xf32>
    %get3A_2 = arith.constant 0 : index
    %get3A_3 = arith.constant 0 : index
    %get3A_4 = vector.load %arg1[%get3A_2, %get3A_3] : memref<500x16xf32, #tpu.memory_space<vmem>>, vector<500x16xf32>
    %dot_general3A = arith.constant dense<0.000000e+00> : vector<10000x16xf32>
    %dot_general3A_5 = tpu.matmul %get3A_1, %get3A_4, %dot_general3A {dimension_numbers = #tpu.dot_dimension_numbers<[1], [0], [0], [1], [0, 0, 1, 1], [], []>, transpose_lhs_hint = false} : vector<10000x500xf32>, vector<500x16xf32>, vector<10000x16xf32> -> vector<10000x16xf32>
    %swap3A = arith.constant 0 : index
    %swap3A_6 = arith.constant 0 : index
    %swap3A_7 = vector.load %arg2[%swap3A, %swap3A_6] : memref<10000x16xf32, #tpu.memory_space<vmem>>, vector<10000x16xf32>
    tpu.vector_store %arg2[%swap3A, %swap3A_6], %dot_general3A_5 {strides = array<i32>} : memref<10000x16xf32, #tpu.memory_space<vmem>>, vector<10000x16xf32>,
    return
  }
}

module attributes {stable_mosaic.version = 14 : i64} {
  func.func @_tc1b_body(%arg0: memref<10000x16xf32, #tpu.memory_space<vmem>>, %arg1: memref<2x10112x16xf32, #tpu.memory_space<vmem>>, %arg2: memref<10112x16xf32, #tpu.memory_space<vmem>>, %arg3: memref<10112x16xf32, #tpu.memory_space<vmem>>) attributes {dimension_semantics = [], scalar_prefetch = 0 : i64, scratch_operands = 0 : i64, tpu.core_type = #tpu.core_type<tc>} {
    %get3A = arith.constant 0 : index
    %get3A_0 = arith.constant 0 : index
    %get3A_1 = arith.constant 0 : index
    %get3A_2 = vector.load %arg1[%get3A, %get3A_0, %get3A_1] : memref<2x10112x16xf32, #tpu.memory_space<vmem>>, vector<1x10112x16xf32>
    %get3A_3 = vector.shape_cast %get3A_2 : vector<1x10112x16xf32> to vector<10112x16xf32>
    %get3A_4 = arith.constant 1 : index
    %get3A_5 = arith.constant 0 : index
    %get3A_6 = arith.constant 0 : index
    %get3A_7 = vector.load %arg1[%get3A_4, %get3A_5, %get3A_6] : memref<2x10112x16xf32, #tpu.memory_space<vmem>>, vector<1x10112x16xf32>
    %get3A_8 = vector.shape_cast %get3A_7 : vector<1x10112x16xf32> to vector<10112x16xf32>
    %add3A = arith.addf %get3A_3, %get3A_8 : vector<10112x16xf32>
    %sub3A = arith.constant 1.000000e+00 : f32
    %sub3A_9 = vector.broadcast %sub3A : f32 to vector<10112x16xf32>
    %sub3A_10 = arith.subf %add3A, %sub3A_9 : vector<10112x16xf32>
    %rsqrt3A = math.rsqrt %sub3A_10 : vector<10112x16xf32>
    %swap3A = arith.constant 0 : index
    %swap3A_11 = arith.constant 0 : index
    %swap3A_12 = vector.load %arg3[%swap3A, %swap3A_11] : memref<10112x16xf32, #tpu.memory_space<vmem>>, vector<10112x16xf32>
    tpu.vector_store %arg3[%swap3A, %swap3A_11], %rsqrt3A {strides = array<i32>} : memref<10112x16xf32, #tpu.memory_space<vmem>>, vector<10112x16xf32>,
    %slice3A = vector.extract_strided_slice %rsqrt3A {offsets = [0, 0], sizes = [10000, 16], strides = [1, 1]} : vector<10112x16xf32> to vector<10000x16xf32>
    %get3A_13 = arith.constant 0 : index
    %get3A_14 = arith.constant 0 : index
    %get3A_15 = vector.load %arg0[%get3A_13, %get3A_14] : memref<10000x16xf32, #tpu.memory_space<vmem>>, vector<10000x16xf32>
    %mul3A = arith.mulf %slice3A, %get3A_15 : vector<10000x16xf32>
    %swap3A_16 = arith.constant 0 : index
    %swap3A_17 = arith.constant 0 : index
    %swap3A_18 = vector.load %arg2[%swap3A_16, %swap3A_17] : memref<10112x16xf32, #tpu.memory_space<vmem>>, vector<10000x16xf32>
    tpu.vector_store %arg2[%swap3A_16, %swap3A_17], %mul3A {strides = array<i32>} : memref<10112x16xf32, #tpu.memory_space<vmem>>, vector<10000x16xf32>,
    %broadcast_in_dim3A = arith.constant 0.000000e+00 : f32
    %broadcast_in_dim3A_19 = vector.broadcast %broadcast_in_dim3A : f32 to vector<112x16xf32>
    %swap3A_20 = arith.constant 10000 : index
    %swap3A_21 = arith.constant 0 : index
    %swap3A_22 = vector.load %arg2[%swap3A_20, %swap3A_21] : memref<10112x16xf32, #tpu.memory_space<vmem>>, vector<112x16xf32>
    tpu.vector_store %arg2[%swap3A_20, %swap3A_21], %broadcast_in_dim3A_19 {strides = array<i32>} : memref<10112x16xf32, #tpu.memory_space<vmem>>, vector<112x16xf32>,
    return
  }
}

module attributes {stable_mosaic.version = 14 : i64} {
  func.func @_tc2_body(%arg0: memref<2x10112x16xf32, #tpu.memory_space<vmem>>, %arg1: memref<10112x16xf32, #tpu.memory_space<vmem>>, %arg2: memref<10112x16xf32, #tpu.memory_space<vmem>>, %arg3: memref<1x16xf32, #tpu.memory_space<vmem>>, %arg4: memref<16x16xf32, #tpu.memory_space<vmem>>, %arg5: memref<10112x16xf32, #tpu.memory_space<vmem>>) attributes {dimension_semantics = [], scalar_prefetch = 0 : i64, scratch_operands = 0 : i64, tpu.core_type = #tpu.core_type<tc>} {
    %get3A = arith.constant 0 : index
    %get3A_0 = arith.constant 0 : index
    %get3A_1 = vector.load %arg2[%get3A, %get3A_0] : memref<10112x16xf32, #tpu.memory_space<vmem>>, vector<10112x16xf32>
    %get3A_2 = arith.constant 0 : index
    %get3A_3 = arith.constant 0 : index
    %get3A_4 = arith.constant 0 : index
    %get3A_5 = vector.load %arg0[%get3A_2, %get3A_3, %get3A_4] : memref<2x10112x16xf32, #tpu.memory_space<vmem>>, vector<1x10112x16xf32>
    %get3A_6 = vector.shape_cast %get3A_5 : vector<1x10112x16xf32> to vector<10112x16xf32>
    %get3A_7 = arith.constant 1 : index
    %get3A_8 = arith.constant 0 : index
    %get3A_9 = arith.constant 0 : index
    %get3A_10 = vector.load %arg0[%get3A_7, %get3A_8, %get3A_9] : memref<2x10112x16xf32, #tpu.memory_space<vmem>>, vector<1x10112x16xf32>
    %get3A_11 = vector.shape_cast %get3A_10 : vector<1x10112x16xf32> to vector<10112x16xf32>
    %add3A = arith.addf %get3A_6, %get3A_11 : vector<10112x16xf32>
    %get3A_12 = arith.constant 0 : index
    %get3A_13 = arith.constant 0 : index
    %get3A_14 = vector.load %arg1[%get3A_12, %get3A_13] : memref<10112x16xf32, #tpu.memory_space<vmem>>, vector<10112x16xf32>
    %sub3A = arith.subf %add3A, %get3A_14 : vector<10112x16xf32>
    %mul3A = arith.mulf %get3A_1, %sub3A : vector<10112x16xf32>
    %get3A_15 = arith.constant 0 : index
    %get3A_16 = arith.constant 0 : index
    %get3A_17 = vector.load %arg3[%get3A_15, %get3A_16] : memref<1x16xf32, #tpu.memory_space<vmem>>, vector<1x16xf32>
    %add3A_18 = vector.broadcast %get3A_17 : vector<1x16xf32> to vector<10112x16xf32>
    %add3A_19 = arith.addf %mul3A, %add3A_18 : vector<10112x16xf32>
    %max3A = arith.constant 0.000000e+00 : f32
    %max3A_20 = vector.broadcast %max3A : f32 to vector<10112x16xf32>
    %max3A_21 = arith.maximumf %add3A_19, %max3A_20 : vector<10112x16xf32>
    %get3A_22 = arith.constant 0 : index
    %get3A_23 = arith.constant 0 : index
    %get3A_24 = vector.load %arg4[%get3A_22, %get3A_23] : memref<16x16xf32, #tpu.memory_space<vmem>>, vector<16x16xf32>
    %dot_general3A = arith.constant dense<0.000000e+00> : vector<10112x16xf32>
    %dot_general3A_25 = tpu.matmul %max3A_21, %get3A_24, %dot_general3A {dimension_numbers = #tpu.dot_dimension_numbers<[1], [0], [0], [1], [0, 0, 1, 1], [], []>, transpose_lhs_hint = false} : vector<10112x16xf32>, vector<16x16xf32>, vector<10112x16xf32> -> vector<10112x16xf32>
    %mul3A_26 = arith.mulf %get3A_1, %dot_general3A_25 : vector<10112x16xf32>
    %swap3A = arith.constant 0 : index
    %swap3A_27 = arith.constant 0 : index
    %swap3A_28 = vector.load %arg5[%swap3A, %swap3A_27] : memref<10112x16xf32, #tpu.memory_space<vmem>>, vector<10112x16xf32>
    tpu.vector_store %arg5[%swap3A, %swap3A_27], %mul3A_26 {strides = array<i32>} : memref<10112x16xf32, #tpu.memory_space<vmem>>, vector<10112x16xf32>,
    return
  }
}

module attributes {stable_mosaic.version = 14 : i64} {
  func.func @_tc3_body(%arg0: memref<2x10112x16xf32, #tpu.memory_space<vmem>>, %arg1: memref<10112x16xf32, #tpu.memory_space<vmem>>, %arg2: memref<10112x16xf32, #tpu.memory_space<vmem>>, %arg3: memref<1x16xf32, #tpu.memory_space<vmem>>, %arg4: memref<10112x16xf32, #tpu.memory_space<vmem>>) attributes {dimension_semantics = [], scalar_prefetch = 0 : i64, scratch_operands = 0 : i64, tpu.core_type = #tpu.core_type<tc>} {
    %get3A = arith.constant 0 : index
    %get3A_0 = arith.constant 0 : index
    %get3A_1 = vector.load %arg2[%get3A, %get3A_0] : memref<10112x16xf32, #tpu.memory_space<vmem>>, vector<10112x16xf32>
    %get3A_2 = arith.constant 0 : index
    %get3A_3 = arith.constant 0 : index
    %get3A_4 = arith.constant 0 : index
    %get3A_5 = vector.load %arg0[%get3A_2, %get3A_3, %get3A_4] : memref<2x10112x16xf32, #tpu.memory_space<vmem>>, vector<1x10112x16xf32>
    %get3A_6 = vector.shape_cast %get3A_5 : vector<1x10112x16xf32> to vector<10112x16xf32>
    %get3A_7 = arith.constant 1 : index
    %get3A_8 = arith.constant 0 : index
    %get3A_9 = arith.constant 0 : index
    %get3A_10 = vector.load %arg0[%get3A_7, %get3A_8, %get3A_9] : memref<2x10112x16xf32, #tpu.memory_space<vmem>>, vector<1x10112x16xf32>
    %get3A_11 = vector.shape_cast %get3A_10 : vector<1x10112x16xf32> to vector<10112x16xf32>
    %add3A = arith.addf %get3A_6, %get3A_11 : vector<10112x16xf32>
    %get3A_12 = arith.constant 0 : index
    %get3A_13 = arith.constant 0 : index
    %get3A_14 = vector.load %arg1[%get3A_12, %get3A_13] : memref<10112x16xf32, #tpu.memory_space<vmem>>, vector<10112x16xf32>
    %sub3A = arith.subf %add3A, %get3A_14 : vector<10112x16xf32>
    %mul3A = arith.mulf %get3A_1, %sub3A : vector<10112x16xf32>
    %get3A_15 = arith.constant 0 : index
    %get3A_16 = arith.constant 0 : index
    %get3A_17 = vector.load %arg3[%get3A_15, %get3A_16] : memref<1x16xf32, #tpu.memory_space<vmem>>, vector<1x16xf32>
    %add3A_18 = vector.broadcast %get3A_17 : vector<1x16xf32> to vector<10112x16xf32>
    %add3A_19 = arith.addf %mul3A, %add3A_18 : vector<10112x16xf32>
    %max3A = arith.constant 0.000000e+00 : f32
    %max3A_20 = vector.broadcast %max3A : f32 to vector<10112x16xf32>
    %max3A_21 = arith.maximumf %add3A_19, %max3A_20 : vector<10112x16xf32>
    %mul3A_22 = arith.mulf %get3A_1, %max3A_21 : vector<10112x16xf32>
    %swap3A = arith.constant 0 : index
    %swap3A_23 = arith.constant 0 : index
    %swap3A_24 = vector.load %arg4[%swap3A, %swap3A_23] : memref<10112x16xf32, #tpu.memory_space<vmem>>, vector<10112x16xf32>
    tpu.vector_store %arg4[%swap3A, %swap3A_23], %mul3A_22 {strides = array<i32>} : memref<10112x16xf32, #tpu.memory_space<vmem>>, vector<10112x16xf32>,
    return
  }
}

module attributes {stable_mosaic.version = 14 : i64} {
  func.func @_tc4_body(%arg0: memref<2x10112x16xf32, #tpu.memory_space<vmem>>, %arg1: memref<10112x16xf32, #tpu.memory_space<vmem>>, %arg2: memref<10112x16xf32, #tpu.memory_space<vmem>>, %arg3: memref<16x500xf32, #tpu.memory_space<vmem>>, %arg4: memref<1x500xf32, #tpu.memory_space<vmem>>, %arg5: memref<10000x500xf32, #tpu.memory_space<vmem>>) attributes {dimension_semantics = [], scalar_prefetch = 0 : i64, scratch_operands = 0 : i64, tpu.core_type = #tpu.core_type<tc>} {
    %get3A = arith.constant 0 : index
    %get3A_0 = arith.constant 0 : index
    %get3A_1 = arith.constant 0 : index
    %get3A_2 = vector.load %arg0[%get3A, %get3A_0, %get3A_1] : memref<2x10112x16xf32, #tpu.memory_space<vmem>>, vector<1x10000x16xf32>
    %get3A_3 = vector.shape_cast %get3A_2 : vector<1x10000x16xf32> to vector<10000x16xf32>
    %get3A_4 = arith.constant 1 : index
    %get3A_5 = arith.constant 0 : index
    %get3A_6 = arith.constant 0 : index
    %get3A_7 = vector.load %arg0[%get3A_4, %get3A_5, %get3A_6] : memref<2x10112x16xf32, #tpu.memory_space<vmem>>, vector<1x10000x16xf32>
    %get3A_8 = vector.shape_cast %get3A_7 : vector<1x10000x16xf32> to vector<10000x16xf32>
    %add3A = arith.addf %get3A_3, %get3A_8 : vector<10000x16xf32>
    %get3A_9 = arith.constant 0 : index
    %get3A_10 = arith.constant 0 : index
    %get3A_11 = vector.load %arg1[%get3A_9, %get3A_10] : memref<10112x16xf32, #tpu.memory_space<vmem>>, vector<10000x16xf32>
    %sub3A = arith.subf %add3A, %get3A_11 : vector<10000x16xf32>
    %get3A_12 = arith.constant 0 : index
    %get3A_13 = arith.constant 0 : index
    %get3A_14 = vector.load %arg2[%get3A_12, %get3A_13] : memref<10112x16xf32, #tpu.memory_space<vmem>>, vector<10000x16xf32>
    %mul3A = arith.mulf %get3A_14, %sub3A : vector<10000x16xf32>
    %get3A_15 = arith.constant 0 : index
    %get3A_16 = arith.constant 0 : index
    %get3A_17 = vector.load %arg3[%get3A_15, %get3A_16] : memref<16x500xf32, #tpu.memory_space<vmem>>, vector<16x500xf32>
    %dot_general3A = arith.constant dense<0.000000e+00> : vector<10000x500xf32>
    %dot_general3A_18 = tpu.matmul %mul3A, %get3A_17, %dot_general3A {dimension_numbers = #tpu.dot_dimension_numbers<[1], [0], [0], [1], [0, 0, 1, 1], [], []>, transpose_lhs_hint = false} : vector<10000x16xf32>, vector<16x500xf32>, vector<10000x500xf32> -> vector<10000x500xf32>
    %get3A_19 = arith.constant 0 : index
    %get3A_20 = arith.constant 0 : index
    %get3A_21 = vector.load %arg4[%get3A_19, %get3A_20] : memref<1x500xf32, #tpu.memory_space<vmem>>, vector<1x500xf32>
    %add3A_22 = vector.broadcast %get3A_21 : vector<1x500xf32> to vector<10000x500xf32>
    %add3A_23 = arith.addf %dot_general3A_18, %add3A_22 : vector<10000x500xf32>
    %swap3A = arith.constant 0 : index
    %swap3A_24 = arith.constant 0 : index
    %swap3A_25 = vector.load %arg5[%swap3A, %swap3A_24] : memref<10000x500xf32, #tpu.memory_space<vmem>>, vector<10000x500xf32>
    tpu.vector_store %arg5[%swap3A, %swap3A_24], %add3A_23 {strides = array<i32>} : memref<10000x500xf32, #tpu.memory_space<vmem>>, vector<10000x500xf32>,
    return
  }
}

</mosaic_0001>

<sc_bundles>
// kernel: kernel.11.cloned.1.call-start
scs
__scs_entry_jumppad:
0x0: {  	(pc) =	sbr.rel $0x88, $3  }
0x1: {  	(tag) =	ssettag $0x0;
	lr =	simm.s32 $0x1  }
0x2: {  	[smem:$0x3F99] =	sst lr;
	_ =	strace $0xD0000000  }
0x3: {  	_ = 	snop  }
0x4: {  	_ = 	snop  }
0x5: {  	_ = 	snop  }
0x6: {  	_ = 	snop  }
0x7: {  	_ = 	snop  }
__scs_overlays_trampoline_lowered:
0x8: {  	[smem:$0x3FA8] =	sst s0  }
0x9: {  	[smem:$0x3FA9] =	sst s1  }
0xa: {  	[smem:$0x3FAA] =	sst s2  }
0xb: {  	[smem:$0x3FAB] =	sst s3  }
0xc: {  	[smem:$0x3FAC] =	sst s4  }
0xd: {  	[smem:$0x3FAD] =	sst s5  }
0xe: {  	[smem:$0x3FAE] =	sst s6  }
0xf: {  	[smem:$0x3FAF] =	sst s7  }
0x10: {  	[smem:$0x3FB0] =	sst s8  }
0x11: {  	[smem:$0x3FB1] =	sst s9;
	s0 =	simm.s32 @!p0 $0x0  }
0x12: {  	s1 =	sld [smem:$0x3F97];
	s0 =	simm.s32 @p0 $0x1  }
0x13: {  	[smem:$0x3FB2] =	sst s0;
	s0 =	simm.s32 @!p1 $0x0  }
0x14: {  	s2 =	sld [smem:$0x3F96];
	s0 =	simm.s32 @p1 $0x1  }
0x15: {  	[smem:$0x3FB3] =	sst s0;
	s0 =	simm.s32 @!p2 $0x0  }
0x16: {  	s3 =	sld [smem:$0x3FDB];
	s0 =	simm.s32 @p2 $0x1  }
0x17: {  	s4 =	simm.s32 $0x1BF5;
	[smem:$0x3FB5] =	sst s0  }
0x18: {  	s0 =	sld [smem:$0x3F98];
	_ =	swait.ge [sflag:s4], $0x0  }
0x19: {  	s7 =	sld [smem:$0x3F99]  }
0x1a: {  	s8 =	sadd.s32 $0xFFFFE003, lr  }
0x1b: {  	s9 =	sadd.s32 $0xFFFFFEF7, lr;
	s5 =	simm.s32 $0xFFFFFFFF;
	p2 =	slt.u32 s8, $0xFFFFF086  }
0x1c: {  	p1 =	slt.u32 s9, $0xF7A;
	s5 =	simm.s32 @!p2 $0x0  }
0x1d: {  	s5 =	simm.s32 @p1 $0x1;
	p0 =	seq.s32 s7, s2  }
0x1e: {  	s7 =	smul.u32 @!p0 $0xF7A, s2;
	p2 =	seq.s32 @!p0 s5, $0x0  }
0x1f: {  	s9 =	smul.u32 $0xF7A, s1;
	s8 =	simm.s32 @!p0 $0x1BF5;
	p2 =	por !p2, p0  }
0x20: {  	[sflag:s8] =	ssyncset.s32 @!p0 $0xFFFFF086;
	s6 =	sadd.s32 @!p0 s3, s7;
	s7 =	simm.s32 @!p0 $0x108  }
0x21: {  	s3 =	sadd.s32 s3, s9;
	s6 =	sadd.s32 @!p0 $0x88, s6;
	s7 =	simm.s32 @p2 $0x1082  }
0x22: {  	[simem:s7], [sflag:s8] =	dma.local @!p0 [hbm:s6], $0xF7A  }
0x23: {  	s9 =	sor.u32 $0xD0000000, s2;
	s6 =	simm.s32 $0x108;
	_ =	swait.ge @!p0 [sflag:s8], $0x0  }
0x24: {  	s3 =	sadd.s32 $0x88, s3;
	s6 =	simm.s32 @!p1 $0x1082;
	[sflag:s4] =	ssyncset.s32 $0xFFFFF086  }
0x25: {  	[simem:s6], [sflag:s4] =	dma.local [hbm:s3], $0xF7A  }
0x26: {  	[smem:$0x3F99] =	sst s1;
	(tag) =	ssettag s2;
	_ =	strace s9  }
0x27: {  	s1 =	sld [smem:$0x3FA9]  }
0x28: {  	s2 =	sld [smem:$0x3FAA]  }
0x29: {  	s4 =	sld [smem:$0x3FAC]  }
0x2a: {  	p0 =	seq.s32 s5, $0x0;
	s5 =	sld [smem:$0x3FAD]  }
0x2b: {  	s6 =	sld [smem:$0x3FAE]  }
0x2c: {  	s7 =	sld [smem:$0x3FAF]  }
0x2d: {  	s3 =	simm.s32 $0x108;
	s8 =	sld [smem:$0x3FB0]  }
0x2e: {  	s3 =	simm.s32 @!p0 $0x1082;
	s9 =	sld [smem:$0x3FB1]  }
0x2f: {  	lr =	sadd.s32 s0, s3;
	s0 =	sld [smem:$0x3FA8]  }
0x30: {  	s3 =	sld [smem:$0x3FAB]  }
0x31: {  	[smem:$0x3FB4] =	sst s10  }
0x32: {  	s10 =	sld [smem:$0x3FB2];
	_ =	sdelay $0x3  }
0x33: {  	p0 =	seq.s32 s10, $0x1;
	s10 =	sld [smem:$0x3FB4];
	_ =	sdelay $0x3  }
0x34: {  	[smem:$0x3FB4] =	sst s10  }
0x35: {  	s10 =	sld [smem:$0x3FB3];
	_ =	sdelay $0x3  }
0x36: {  	p1 =	seq.s32 s10, $0x1;
	s10 =	sld [smem:$0x3FB4];
	_ =	sdelay $0x3  }
0x37: {  	[smem:$0x3FB4] =	sst s10  }
0x38: {  	s10 =	sld [smem:$0x3FB5]  }
0x39: {  	_ = 	snop;
	(pc) =	sbr.ind lr, $3  }
0x3a: {  	_ = 	snop  }
0x3b: {  	_ = 	snop  }
0x3c: {  	p2 =	seq.s32 s10, $0x1;
	s10 =	sld [smem:$0x3FB4]  }
0x3d: {  	_ =	shalt  }
0x3e: {  	_ =	shalt  }
0x3f: {  	_ =	shalt  }
0x40: {  	_ =	shalt  }
0x41: {  	_ =	shalt  }
0x42: {  	_ =	shalt  }
0x43: {  	_ =	shalt  }
0x44: {  	_ =	shalt  }
0x45: {  	_ =	shalt  }
0x46: {  	_ =	shalt  }
0x47: {  	_ =	shalt  }
0x48: {  	_ =	shalt  }
0x49: {  	_ =	shalt  }
0x4a: {  	_ =	shalt  }
0x4b: {  	_ =	shalt  }
0x4c: {  	_ =	shalt  }
0x4d: {  	_ =	shalt  }
0x4e: {  	_ =	shalt  }
0x4f: {  	_ =	shalt  }
0x50: {  	_ =	shalt  }
0x51: {  	_ =	shalt  }
0x52: {  	_ =	shalt  }
0x53: {  	_ =	shalt  }
0x54: {  	_ =	shalt  }
0x55: {  	_ =	shalt  }
0x56: {  	_ =	shalt  }
0x57: {  	_ =	shalt  }
0x58: {  	_ =	shalt  }
0x59: {  	_ =	shalt  }
0x5a: {  	_ =	shalt  }
0x5b: {  	_ =	shalt  }
0x5c: {  	_ =	shalt  }
0x5d: {  	_ =	shalt  }
0x5e: {  	_ =	shalt  }
0x5f: {  	_ =	shalt  }
0x60: {  	_ =	shalt  }
0x61: {  	_ =	shalt  }
0x62: {  	_ =	shalt  }
0x63: {  	_ =	shalt  }
0x64: {  	_ =	shalt  }
0x65: {  	_ =	shalt  }
0x66: {  	_ =	shalt  }
0x67: {  	_ =	shalt  }
0x68: {  	_ =	shalt  }
0x69: {  	_ =	shalt  }
0x6a: {  	_ =	shalt  }
0x6b: {  	_ =	shalt  }
0x6c: {  	_ =	shalt  }
0x6d: {  	_ =	shalt  }
0x6e: {  	_ =	shalt  }
0x6f: {  	_ =	shalt  }
0x70: {  	_ =	shalt  }
0x71: {  	_ =	shalt  }
0x72: {  	_ =	shalt  }
0x73: {  	_ =	shalt  }
0x74: {  	_ =	shalt  }
0x75: {  	_ =	shalt  }
0x76: {  	_ =	shalt  }
0x77: {  	_ =	shalt  }
0x78: {  	_ =	shalt  }
0x79: {  	_ =	shalt  }
0x7a: {  	_ =	shalt  }
0x7b: {  	_ =	shalt  }
0x7c: {  	_ =	shalt  }
0x7d: {  	_ =	shalt  }
0x7e: {  	_ =	shalt  }
0x7f: {  	_ =	shalt  }
0x80: {  	_ =	shalt  }
0x81: {  	_ =	shalt  }
0x82: {  	_ =	shalt  }
0x83: {  	_ =	shalt  }
0x84: {  	_ =	shalt  }
0x85: {  	_ =	shalt  }
0x86: {  	_ =	shalt  }
0x87: {  	_ =	shalt  }
.Lfunc_end0:
.L_simem_size_0:
called_computation_lowered:
.L_overlay_start_0:
0x88: {  	s2 =	sld [smem:$0x3FD9]  }
0x89: {  	s3 =	sld [smem:$0x3FFE];
	_ =	sdelay $0x1  }
0x8a: {  	s1 =	srdreg.scid  }
0x8b: {  	s0 =	sand.u32 $0x1, s1  }
0x8c: {  	s17 =	sshll.u32 s0, $0xA;
	s2 =	sadd.s32 s3, s2  }
0x8d: {  	s2 =	sadd.s32 s2, s17  }
0x8e: {  	[smem:$0x3FC0] =	sst s2  }
0x8f: {  	_ = 	snop  }
0x90: {  	s2 =	sld [smem:$0x3FD0];
	(tm) =	ssettm $0x1  }
0x91: {  	s18 =	sld [smem:$0x3FFB];
	_ =	sdelay $0x3  }
0x92: {  	_ =	strace s18  }
0x93: {  	s3 =	sld [smem:$0x3FFC];
	_ =	sdelay $0x3  }
0x94: {  	_ =	strace s3  }
0x95: {  	s3 =	sld [smem:$0x3FFD];
	_ =	sdelay $0x3  }
0x96: {  	_ =	strace s3  }
0x97: {  	_ =	strace $0x8FFFFFFF  }
0x98: {  	s19 =	sld [smem:$0x3FDB];
	_ =	sdelay $0x1  }
0x99: {  	s4 =	simm.s32 $_scs_section_size  }
0x9a: {  	s5 =	simm.s32 $_size__tile_overlayer_lowered;
	s6 =	simm.s32 $_tile_overlayer_lowered  }
0x9b: {  	s22 =	simm.s32 $0x1BFF;
	s21 =	sshll.u32 s6, $0x1;
	s3 =	sadd.s32 s4, s19  }
0x9c: {  	s7 =	simm.s32 $0x0;
	s20 =	sshll.u32 s5, $0x1;
	s5 =	sadd.s32 s21, s3  }
0x9d: {  	[timem:s7], [sflag:s22] =	dma.local [hbm:s5], s20  }
0x9e: {  	_ =	swait.ge [sflag:s22], s20  }
0x9f: {  	s4 =	ssub.s32 $0x0, s20;
	[sflag:s22] =	ssyncset.done $0x0  }
0xa0: {  	[sflag:s22] =	ssyncadd.s32 s4;
	_ =	sdelay $0x1  }
0xa1: {  	s23 =	simm.s32 $0x1B8B  }
0xa2: {  	_ =	swait.ge [sflag:s23], $0x1  }
0xa3: {  	[sflag:s23] =	ssyncset.done $0x0  }
0xa4: {  	s25 =	simm.s32 $0x1B8E;
	s24 =	sld [smem:$0x3FFE];
	[sflag:s23] =	ssyncadd.s32 $0xFFFFFFFF  }
0xa5: {  	s26 =	simm.s32 $execute0_lowered;
	[smem:$0x3FD2] =	sst s25  }
0xa6: {  	s5 =	sshll.u32 s26, $0x1;
	_ =	strace $0x80000046;
	[dreg:$0x1] =	wrdreg $0xFFFFFFFF  }
0xa7: {  	s28 =	simm.s32 $_size_execute0_lowered;
	s3 =	sadd.s32 s3, s5;
	[dreg:$0x0] =	wrdreg $0x0  }
0xa8: {  	s5 =	sshll.u32 s28, $0x1;
	[dreg:$0x2] =	wrdreg s3  }
0xa9: {  	[dreg:$0x3] =	wrdreg s5  }
0xaa: {  	[dreg:$0x4] =	wrdreg $0xC0  }
0xab: {  	_ =	task [dreg:s7], $0x5FFFF  }
0xac: {  	[dreg:$0x1] =	wrdreg $0xFFFFFFFF  }
0xad: {  	[dreg:$0x0] =	wrdreg $0x60  }
0xae: {  	[dreg:$0x2] =	wrdreg s2  }
0xaf: {  	[dreg:$0x3] =	wrdreg s24  }
0xb0: {  	[dreg:$0x4] =	wrdreg $0x187100  }
0xb1: {  	[dreg:$0x5] =	wrdreg $0x1AE900  }
0xb2: {  	[dreg:$0x6] =	wrdreg $0x9  }
0xb3: {  	_ =	task.clear_ibuf [dreg:s7], $0x7FFFF;
	_ =	strace $0x90000046  }
0xb4: {  	s29 =	simm.s32 $0x9;
	_ =	strace $0x80000048  }
0xb5: {  	_ =	swait.ge [sflag:s29], $0x1  }
0xb6: {  	[sflag:s29] =	ssyncadd.s32 $0xFFFFFFFF  }
0xb7: {  	_ =	strace $0x90000048  }
0xb8: {  	_ =	sfence  }
0xb9: {  	s30 =	sld [smem:$0x0];
	_ =	sdelay $0x2  }
0xba: {  	s31 =	sshll.u32 s1, $0xD;
	s1 =	sshrl.u32 s1, $0x2  }
0xbb: {  	s3 =	sand.u32 $0x4000, s31;
	s1 =	sadd.s32 s1, s30  }
0xbc: {  	s0 =	sor.u32 s3, s0;
	s1 =	sshll.u32 s1, $0x11  }
0xbd: {  	s0 =	sor.u32 s1, s0  }
0xbe: {  	s0 =	sadd.s32 $0x8F2B, s0  }
0xbf: {  	[sflag:s0] =	ssyncadd.remote.s32 $0x1  }
0xc0: {  	_ =	sfence.sel $0xFFFF  }
0xc1: {  	[dreg:$0x0] =	wrdreg $0xFFFFFFFF;
	(pc) =	sbr.abs _section_cstart, $3  }
0xc2: {  	[dreg:$0x1] =	wrdreg $0xFFFFFFFF  }
0xc3: {  	_ =	task.clear_ibuf [dreg:s7], $0x2FFFF;
	_ =	strace $0x9FFFFFFF  }
0xc4: {  	(tm) =	ssettm $0x7FFFFFFF  }
0xc5: {  	_ =	shalt  }
tec
execute0_lowered:
.L_overlay_start_1:
0x0: {  	(tag) =	ssettag $0x1  }
0x1: {  	s5 =	rddreg [dreg:$0x0]  }
0x2: {  	s15 =	rddreg [dreg:$0x1]  }
0x3: {  	s2 =	rddreg [dreg:$0x2];
	s1 =	stileid.u32  }
0x4: {  	s3 =	rddreg [dreg:$0x3];
	s16 =	smul.u32 $0x2780, s1  }
0x5: {  	s0 =	rddreg [dreg:$0x4];
	s4 =	simm.s32 $0x0  }
0x6: {  	s7 =	simm.s32 $0x15F90;
	[smem:$0x7FF] =	sst s4;
	s6 =	sshrl.u32 s16, $0x3  }
0x7: {  	_ =	strace $0x80000047;
	s5 =	sadd.s32 s5, s6;
	s6 =	simm.s32 $0x2  }
0x8: {  	[tilespmem:s7], [sflag:$0x2] =	stream.linear.gather [hbm4b:s5+s4], $0x2780, $0x38;
	[tilespmem:$0x1D610] =	vst v63  }
0x9: {  	_ =	swait.ge [sflag:s6], $0x2780  }
0xa: {  	s8 =	srdreg.scid;
	[sflag:s6] =	ssyncset.done $0x0  }
0xb: {  	s17 =	sand.u32 $0x1, s8;
	s8 =	sadd.s32 s16, s2;
	[sflag:s6] =	ssyncadd.s32 $0xFFFFD880  }
0xc: {  	[spmem:s8] =	stream.linear.scatter [tilespmem:s7], [sflag:$0x2], $0x2780, $0x38;
	[tilespmem:$0x1D610] =	vst v63  }
0xd: {  	s9 =	sshll.u32 s17, $0x4;
	_ =	swait.ge [sflag:s6], $0x2780  }
0xe: {  	s9 =	sor.u32 s1, s9;
	[sflag:s6] =	ssyncset.done $0x0  }
0xf: {  	s10 =	smul.u32 $0x1388, s9;
	s9 =	sadd.s32 s16, s3;
	[sflag:s6] =	ssyncadd.s32 $0xFFFFD880  }
0x10: {  	[spmem:s9] =	stream.linear.scatter [tilespmem:s7], [sflag:$0x2], $0x2780, $0x38;
	[tilespmem:$0x1D610] =	vst v63  }
0x11: {  	s10 =	sshrl.u32 s10, $0x3;
	_ =	swait.ge [sflag:s6], $0x2780  }
0x12: {  	s11 =	sadd.s32 s10, s15;
	[sflag:s6] =	ssyncset.done $0x0  }
0x13: {  	s10 =	sadd.s32 $0x1E00, s11;
	[sflag:s6] =	ssyncadd.s32 $0xFFFFD880  }
0x14: {  	[tilespmem:s4], [sflag:$0x2] =	stream.linear.gather [hbm4b:s10+s4], $0x1388, $0x38;
	[tilespmem:$0x1D610] =	vst v63  }
0x15: {  	_ =	swait.ge [sflag:s6], $0x1388  }
0x16: {  	[sflag:s6] =	ssyncset.done $0x0  }
0x17: {  	s12 =	simm.s32 $0x1388;
	s11 =	sadd.s32 $0x6C20, s11;
	[sflag:s6] =	ssyncadd.s32 $0xFFFFEC78  }
0x18: {  	[tilespmem:s12], [sflag:$0x2] =	stream.linear.gather [hbm4b:s11+s4], $0x1388, $0x38;
	[tilespmem:$0x1D610] =	vst v63  }
0x19: {  	_ =	swait.ge [sflag:s6], $0x1388  }
0x1a: {  	[sflag:s6] =	ssyncset.done $0x0  }
0x1b: {  	s13 =	simm.s32 $0x2710;
	[sflag:s6] =	ssyncadd.s32 $0xFFFFEC78  }
0x1c: {  	s14 =	simm.s32 $0x1;
	s18 =	smul.u32 $0x27800, s17;
	[bflag:$0x0] =	sbarrier.arrive $0xFFFF  }
0x1d: {  	[tilespmem:s13], [sflag:$0x1] =	stream.indirect.gather [spmem:s3], $0x10, s4, s12, $0xb8;
	[tilespmem:$0x1D610] =	vst v63  }
0x1e: {  	s17 =	ssub.s32 $0x2, s17;
	s16 =	sadd.s32 s16, s18;
	_ =	swait.ge [sflag:s14], $0x13880  }
0x1f: {  	s29 =	sshrl.u32 s17, $0x1;
	s16 =	sshrl.u32 s16, $0x3;
	[sflag:s14] =	ssyncset.done $0x0  }
0x20: {  	s15 =	sadd.s32 s16, s15;
	s16 =	ssub.s32 s17, s29;
	[sflag:s14] =	ssyncadd.s32 $0xFFFEC780  }
0x21: {  	[spmem:s2] =	stream.indirect.scatter.add.f32 [tilespmem:s13], [sflag:$0x2], $0x10, s12, s12, $0xb8;
	[tilespmem:$0x1D610] =	vst v63  }
0x22: {  	s30 =	smax.u32 s16, $0x1;
	_ =	swait.ge [sflag:s6], $0x13880  }
0x23: {  	s31 =	sshll.u32 s1, $0x6;
	p0 =	sne.s32 s30, $0x1;
	[sflag:s6] =	ssyncset.done $0x0  }
.Ltmp0:
0x24: {  	s17 =	sshrl.u32 s8, $0x3;
	[sflag:s6] =	ssyncadd.s32 $0xFFFEC780;
	(pc) =	sbr.rel @!p0 .LBB2_2-.Ltmp0, $4  }
0x25: {  	s15 =	sadd.s32 $0xBC00, s15;
	s16 =	sor.u32 $0x1C02, s31;
	[bflag:$0x0] =	sbarrier.arrive $0xFFFF  }
0x26: {  	[hbm:s15], [sflag:s16] =	dma.local [spmem:s17], $0x4F0  }
0x27: {  	_ =	swait.ge [sflag:s6], $0x4F0  }
0x28: {  	s18 =	sadd.s32 $0xFFFFFFFF, s30;
	[sflag:s6] =	ssyncset.done $0x0  }
.LBB2_1:
0x29: {  	p0 =	sne.s32 s18, $0x1;
	s18 =	sadd.s32 $0xFFFFFFFF, s18;
	[sflag:s6] =	ssyncadd.s32 $0xFFFFFB10  }
0x2a: {  	[tilespmem:s7], [sflag:$0x2] =	stream.linear.gather [hbm4b:s5+s4], $0x2780, $0x38;
	[tilespmem:$0x1D610] =	vst v63  }
0x2b: {  	_ =	swait.ge [sflag:s6], $0x2780  }
0x2c: {  	[sflag:s6] =	ssyncset.done $0x0  }
0x2d: {  	[sflag:s6] =	ssyncadd.s32 $0xFFFFD880  }
0x2e: {  	[spmem:s8] =	stream.linear.scatter [tilespmem:s7], [sflag:$0x2], $0x2780, $0x38;
	[tilespmem:$0x1D610] =	vst v63  }
0x2f: {  	_ =	swait.ge [sflag:s6], $0x2780  }
0x30: {  	[sflag:s6] =	ssyncset.done $0x0  }
0x31: {  	[sflag:s6] =	ssyncadd.s32 $0xFFFFD880  }
0x32: {  	[spmem:s9] =	stream.linear.scatter [tilespmem:s7], [sflag:$0x2], $0x2780, $0x38;
	[tilespmem:$0x1D610] =	vst v63  }
0x33: {  	_ =	swait.ge [sflag:s6], $0x2780  }
0x34: {  	[sflag:s6] =	ssyncset.done $0x0  }
0x35: {  	[sflag:s6] =	ssyncadd.s32 $0xFFFFD880  }
0x36: {  	[tilespmem:s4], [sflag:$0x2] =	stream.linear.gather [hbm4b:s10+s4], $0x1388, $0x38;
	[tilespmem:$0x1D610] =	vst v63  }
0x37: {  	_ =	swait.ge [sflag:s6], $0x1388  }
0x38: {  	[sflag:s6] =	ssyncset.done $0x0  }
0x39: {  	[sflag:s6] =	ssyncadd.s32 $0xFFFFEC78  }
0x3a: {  	[tilespmem:s12], [sflag:$0x2] =	stream.linear.gather [hbm4b:s11+s4], $0x1388, $0x38;
	[tilespmem:$0x1D610] =	vst v63  }
0x3b: {  	_ =	swait.ge [sflag:s6], $0x1388  }
0x3c: {  	[sflag:s6] =	ssyncset.done $0x0  }
0x3d: {  	[sflag:s6] =	ssyncadd.s32 $0xFFFFEC78  }
0x3e: {  	[bflag:$0x0] =	sbarrier.arrive $0xFFFF  }
0x3f: {  	[tilespmem:s13], [sflag:$0x1] =	stream.indirect.gather [spmem:s3], $0x10, s4, s12, $0xb8;
	[tilespmem:$0x1D610] =	vst v63  }
0x40: {  	_ =	swait.ge [sflag:s14], $0x13880  }
0x41: {  	[sflag:s14] =	ssyncset.done $0x0  }
0x42: {  	[sflag:s14] =	ssyncadd.s32 $0xFFFEC780  }
0x43: {  	[spmem:s2] =	stream.indirect.scatter.add.f32 [tilespmem:s13], [sflag:$0x2], $0x10, s12, s12, $0xb8;
	[tilespmem:$0x1D610] =	vst v63  }
0x44: {  	_ =	swait.ge [sflag:s6], $0x13880  }
0x45: {  	[sflag:s6] =	ssyncset.done $0x0  }
.Ltmp1:
0x46: {  	[sflag:s6] =	ssyncadd.s32 $0xFFFEC780;
	(pc) =	sbr.rel @p0 .LBB2_1-.Ltmp1, $4  }
0x47: {  	[bflag:$0x0] =	sbarrier.arrive $0xFFFF  }
0x48: {  	[hbm:s15], [sflag:s16] =	dma.local [spmem:s17], $0x4F0  }
0x49: {  	_ =	swait.ge [sflag:s6], $0x4F0  }
0x4a: {  	[sflag:s6] =	ssyncset.done $0x0  }
.LBB2_2:
0x4b: {  	[sflag:s6] =	ssyncadd.s32 $0xFFFFFB10  }
0x4c: {  	_ =	sfence.sel $0x180000  }
0x4d: {  	[bflag:$0x0] =	sbarrier.arrive $0xFFFF  }
0x4e: {  	p0 =	sne.s32 s1, $0x0;
	_ =	strace $0x90000047  }
0x4f: {  	s0 =	sadd.s32 @!p0 $0x100000, s0;
	[bflag:$0x2] =	sbarrier.arrive $0xFFFF  }
0x50: {  	[sflag:s0] =	ssyncadd.tile.s32 @!p0 $0x1;
	_ =	shalt  }
.Lfunc_end2:
_tile_overlayer_lowered:
.L_overlay_start_2:
0x51: {  	(tag) =	ssettag $0x2  }
0x52: {  	s0 =	rddreg [dreg:$0x0];
	s2 =	stileid.u32  }
0x53: {  	s1 =	rddreg [dreg:$0x1];
	p0 =	sne.s32 s2, $0x0  }
0x54: {  	s3 =	rddreg [dreg:$0x2];
	[bflag:$0x3] =	sbarrier.arrive $0xFFFF;
	s2 =	simm.s32 @!p0 $0x1C02  }
0x55: {  	[timem:s3], [sflag:s2] =	dma.local @!p0 [hbm:s0], s1  }
0x56: {  	s0 =	simm.s32 @!p0 $0x2  }
0x57: {  	_ =	swait.ge @!p0 [sflag:s0], s1  }
0x58: {  	s1 =	ssub.s32 @!p0 $0x0, s1;
	[sflag:s0] =	ssyncset.done @!p0 $0x0  }
0x59: {  	[sflag:s0] =	ssyncadd.s32 @!p0 s1  }
0x5a: {  	[bflag:$0x3] =	sbarrier.arrive $0xFFFF  }
0x5b: {  	_ =	shalt  }

// kernel: kernel.14.cloned.1.call-start
scs
__scs_entry_jumppad:
0x0: {  	(pc) =	sbr.rel $0x88, $3  }
0x1: {  	(tag) =	ssettag $0x0;
	lr =	simm.s32 $0x1  }
0x2: {  	[smem:$0x3F99] =	sst lr;
	_ =	strace $0xD0000000  }
0x3: {  	_ = 	snop  }
0x4: {  	_ = 	snop  }
0x5: {  	_ = 	snop  }
0x6: {  	_ = 	snop  }
0x7: {  	_ = 	snop  }
__scs_overlays_trampoline_lowered:
0x8: {  	[smem:$0x3FA8] =	sst s0  }
0x9: {  	[smem:$0x3FA9] =	sst s1  }
0xa: {  	[smem:$0x3FAA] =	sst s2  }
0xb: {  	[smem:$0x3FAB] =	sst s3  }
0xc: {  	[smem:$0x3FAC] =	sst s4  }
0xd: {  	[smem:$0x3FAD] =	sst s5  }
0xe: {  	[smem:$0x3FAE] =	sst s6  }
0xf: {  	[smem:$0x3FAF] =	sst s7  }
0x10: {  	[smem:$0x3FB0] =	sst s8  }
0x11: {  	[smem:$0x3FB1] =	sst s9;
	s0 =	simm.s32 @!p0 $0x0  }
0x12: {  	s1 =	sld [smem:$0x3F97];
	s0 =	simm.s32 @p0 $0x1  }
0x13: {  	[smem:$0x3FB2] =	sst s0;
	s0 =	simm.s32 @!p1 $0x0  }
0x14: {  	s2 =	sld [smem:$0x3F96];
	s0 =	simm.s32 @p1 $0x1  }
0x15: {  	[smem:$0x3FB3] =	sst s0;
	s0 =	simm.s32 @!p2 $0x0  }
0x16: {  	s3 =	sld [smem:$0x3FDB];
	s0 =	simm.s32 @p2 $0x1  }
0x17: {  	s4 =	simm.s32 $0x1BF5;
	[smem:$0x3FB5] =	sst s0  }
0x18: {  	s0 =	sld [smem:$0x3F98];
	_ =	swait.ge [sflag:s4], $0x0  }
0x19: {  	s7 =	sld [smem:$0x3F99]  }
0x1a: {  	s8 =	sadd.s32 $0xFFFFE003, lr  }
0x1b: {  	s9 =	sadd.s32 $0xFFFFFEF7, lr;
	s5 =	simm.s32 $0xFFFFFFFF;
	p2 =	slt.u32 s8, $0xFFFFF086  }
0x1c: {  	p1 =	slt.u32 s9, $0xF7A;
	s5 =	simm.s32 @!p2 $0x0  }
0x1d: {  	s5 =	simm.s32 @p1 $0x1;
	p0 =	seq.s32 s7, s2  }
0x1e: {  	s7 =	smul.u32 @!p0 $0xF7A, s2;
	p2 =	seq.s32 @!p0 s5, $0x0  }
0x1f: {  	s9 =	smul.u32 $0xF7A, s1;
	s8 =	simm.s32 @!p0 $0x1BF5;
	p2 =	por !p2, p0  }
0x20: {  	[sflag:s8] =	ssyncset.s32 @!p0 $0xFFFFF086;
	s6 =	sadd.s32 @!p0 s3, s7;
	s7 =	simm.s32 @!p0 $0x108  }
0x21: {  	s3 =	sadd.s32 s3, s9;
	s6 =	sadd.s32 @!p0 $0x88, s6;
	s7 =	simm.s32 @p2 $0x1082  }
0x22: {  	[simem:s7], [sflag:s8] =	dma.local @!p0 [hbm:s6], $0xF7A  }
0x23: {  	s9 =	sor.u32 $0xD0000000, s2;
	s6 =	simm.s32 $0x108;
	_ =	swait.ge @!p0 [sflag:s8], $0x0  }
0x24: {  	s3 =	sadd.s32 $0x88, s3;
	s6 =	simm.s32 @!p1 $0x1082;
	[sflag:s4] =	ssyncset.s32 $0xFFFFF086  }
0x25: {  	[simem:s6], [sflag:s4] =	dma.local [hbm:s3], $0xF7A  }
0x26: {  	[smem:$0x3F99] =	sst s1;
	(tag) =	ssettag s2;
	_ =	strace s9  }
0x27: {  	s1 =	sld [smem:$0x3FA9]  }
0x28: {  	s2 =	sld [smem:$0x3FAA]  }
0x29: {  	s4 =	sld [smem:$0x3FAC]  }
0x2a: {  	p0 =	seq.s32 s5, $0x0;
	s5 =	sld [smem:$0x3FAD]  }
0x2b: {  	s6 =	sld [smem:$0x3FAE]  }
0x2c: {  	s7 =	sld [smem:$0x3FAF]  }
0x2d: {  	s3 =	simm.s32 $0x108;
	s8 =	sld [smem:$0x3FB0]  }
0x2e: {  	s3 =	simm.s32 @!p0 $0x1082;
	s9 =	sld [smem:$0x3FB1]  }
0x2f: {  	lr =	sadd.s32 s0, s3;
	s0 =	sld [smem:$0x3FA8]  }
0x30: {  	s3 =	sld [smem:$0x3FAB]  }
0x31: {  	[smem:$0x3FB4] =	sst s10  }
0x32: {  	s10 =	sld [smem:$0x3FB2];
	_ =	sdelay $0x3  }
0x33: {  	p0 =	seq.s32 s10, $0x1;
	s10 =	sld [smem:$0x3FB4];
	_ =	sdelay $0x3  }
0x34: {  	[smem:$0x3FB4] =	sst s10  }
0x35: {  	s10 =	sld [smem:$0x3FB3];
	_ =	sdelay $0x3  }
0x36: {  	p1 =	seq.s32 s10, $0x1;
	s10 =	sld [smem:$0x3FB4];
	_ =	sdelay $0x3  }
0x37: {  	[smem:$0x3FB4] =	sst s10  }
0x38: {  	s10 =	sld [smem:$0x3FB5]  }
0x39: {  	_ = 	snop;
	(pc) =	sbr.ind lr, $3  }
0x3a: {  	_ = 	snop  }
0x3b: {  	_ = 	snop  }
0x3c: {  	p2 =	seq.s32 s10, $0x1;
	s10 =	sld [smem:$0x3FB4]  }
0x3d: {  	_ =	shalt  }
0x3e: {  	_ =	shalt  }
0x3f: {  	_ =	shalt  }
0x40: {  	_ =	shalt  }
0x41: {  	_ =	shalt  }
0x42: {  	_ =	shalt  }
0x43: {  	_ =	shalt  }
0x44: {  	_ =	shalt  }
0x45: {  	_ =	shalt  }
0x46: {  	_ =	shalt  }
0x47: {  	_ =	shalt  }
0x48: {  	_ =	shalt  }
0x49: {  	_ =	shalt  }
0x4a: {  	_ =	shalt  }
0x4b: {  	_ =	shalt  }
0x4c: {  	_ =	shalt  }
0x4d: {  	_ =	shalt  }
0x4e: {  	_ =	shalt  }
0x4f: {  	_ =	shalt  }
0x50: {  	_ =	shalt  }
0x51: {  	_ =	shalt  }
0x52: {  	_ =	shalt  }
0x53: {  	_ =	shalt  }
0x54: {  	_ =	shalt  }
0x55: {  	_ =	shalt  }
0x56: {  	_ =	shalt  }
0x57: {  	_ =	shalt  }
0x58: {  	_ =	shalt  }
0x59: {  	_ =	shalt  }
0x5a: {  	_ =	shalt  }
0x5b: {  	_ =	shalt  }
0x5c: {  	_ =	shalt  }
0x5d: {  	_ =	shalt  }
0x5e: {  	_ =	shalt  }
0x5f: {  	_ =	shalt  }
0x60: {  	_ =	shalt  }
0x61: {  	_ =	shalt  }
0x62: {  	_ =	shalt  }
0x63: {  	_ =	shalt  }
0x64: {  	_ =	shalt  }
0x65: {  	_ =	shalt  }
0x66: {  	_ =	shalt  }
0x67: {  	_ =	shalt  }
0x68: {  	_ =	shalt  }
0x69: {  	_ =	shalt  }
0x6a: {  	_ =	shalt  }
0x6b: {  	_ =	shalt  }
0x6c: {  	_ =	shalt  }
0x6d: {  	_ =	shalt  }
0x6e: {  	_ =	shalt  }
0x6f: {  	_ =	shalt  }
0x70: {  	_ =	shalt  }
0x71: {  	_ =	shalt  }
0x72: {  	_ =	shalt  }
0x73: {  	_ =	shalt  }
0x74: {  	_ =	shalt  }
0x75: {  	_ =	shalt  }
0x76: {  	_ =	shalt  }
0x77: {  	_ =	shalt  }
0x78: {  	_ =	shalt  }
0x79: {  	_ =	shalt  }
0x7a: {  	_ =	shalt  }
0x7b: {  	_ =	shalt  }
0x7c: {  	_ =	shalt  }
0x7d: {  	_ =	shalt  }
0x7e: {  	_ =	shalt  }
0x7f: {  	_ =	shalt  }
0x80: {  	_ =	shalt  }
0x81: {  	_ =	shalt  }
0x82: {  	_ =	shalt  }
0x83: {  	_ =	shalt  }
0x84: {  	_ =	shalt  }
0x85: {  	_ =	shalt  }
0x86: {  	_ =	shalt  }
0x87: {  	_ =	shalt  }
.Lfunc_end0:
.L_simem_size_0:
called_computation.1_lowered:
.L_overlay_start_0:
0x88: {  	s2 =	sld [smem:$0x3FD9]  }
0x89: {  	s3 =	sld [smem:$0x3FFE];
	_ =	sdelay $0x1  }
0x8a: {  	s1 =	srdreg.scid  }
0x8b: {  	s0 =	sand.u32 $0x1, s1  }
0x8c: {  	s17 =	sshll.u32 s0, $0xA;
	s2 =	sadd.s32 s3, s2  }
0x8d: {  	s2 =	sadd.s32 s2, s17  }
0x8e: {  	[smem:$0x3FC0] =	sst s2  }
0x8f: {  	_ = 	snop  }
0x90: {  	s2 =	sld [smem:$0x3FD0];
	(tm) =	ssettm $0x1  }
0x91: {  	s18 =	sld [smem:$0x3FFB];
	_ =	sdelay $0x3  }
0x92: {  	_ =	strace s18  }
0x93: {  	s3 =	sld [smem:$0x3FFC];
	_ =	sdelay $0x3  }
0x94: {  	_ =	strace s3  }
0x95: {  	s3 =	sld [smem:$0x3FFD];
	_ =	sdelay $0x3  }
0x96: {  	_ =	strace s3  }
0x97: {  	_ =	strace $0x8FFFFFFF  }
0x98: {  	s19 =	sld [smem:$0x3FDB];
	_ =	sdelay $0x1  }
0x99: {  	s4 =	simm.s32 $_scs_section_size  }
0x9a: {  	s5 =	simm.s32 $_size__tile_overlayer_lowered;
	s6 =	simm.s32 $_tile_overlayer_lowered  }
0x9b: {  	s22 =	simm.s32 $0x1BFF;
	s21 =	sshll.u32 s6, $0x1;
	s3 =	sadd.s32 s4, s19  }
0x9c: {  	s7 =	simm.s32 $0x0;
	s20 =	sshll.u32 s5, $0x1;
	s5 =	sadd.s32 s21, s3  }
0x9d: {  	[timem:s7], [sflag:s22] =	dma.local [hbm:s5], s20  }
0x9e: {  	_ =	swait.ge [sflag:s22], s20  }
0x9f: {  	s4 =	ssub.s32 $0x0, s20;
	[sflag:s22] =	ssyncset.done $0x0  }
0xa0: {  	[sflag:s22] =	ssyncadd.s32 s4;
	_ =	sdelay $0x1  }
0xa1: {  	s23 =	simm.s32 $0x1B8B  }
0xa2: {  	_ =	swait.ge [sflag:s23], $0x1  }
0xa3: {  	[sflag:s23] =	ssyncset.done $0x0  }
0xa4: {  	s25 =	simm.s32 $0x1B8E;
	s24 =	sld [smem:$0x3FFE];
	[sflag:s23] =	ssyncadd.s32 $0xFFFFFFFF  }
0xa5: {  	s26 =	simm.s32 $execute0_lowered;
	[smem:$0x3FD2] =	sst s25  }
0xa6: {  	s5 =	sshll.u32 s26, $0x1;
	_ =	strace $0x80000049;
	[dreg:$0x1] =	wrdreg $0xFFFFFFFF  }
0xa7: {  	s28 =	simm.s32 $_size_execute0_lowered;
	s3 =	sadd.s32 s3, s5;
	[dreg:$0x0] =	wrdreg $0x0  }
0xa8: {  	s5 =	sshll.u32 s28, $0x1;
	[dreg:$0x2] =	wrdreg s3  }
0xa9: {  	[dreg:$0x3] =	wrdreg s5  }
0xaa: {  	[dreg:$0x4] =	wrdreg $0xC0  }
0xab: {  	_ =	task [dreg:s7], $0x5FFFF  }
0xac: {  	[dreg:$0x1] =	wrdreg $0xFFFFFFFF  }
0xad: {  	[dreg:$0x0] =	wrdreg $0x60  }
0xae: {  	[dreg:$0x2] =	wrdreg s2  }
0xaf: {  	[dreg:$0x3] =	wrdreg s24  }
0xb0: {  	[dreg:$0x4] =	wrdreg $0x187100  }
0xb1: {  	[dreg:$0x5] =	wrdreg $0x1AE900  }
0xb2: {  	[dreg:$0x6] =	wrdreg $0x9  }
0xb3: {  	_ =	task.clear_ibuf [dreg:s7], $0x7FFFF;
	_ =	strace $0x90000049  }
0xb4: {  	s29 =	simm.s32 $0x9;
	_ =	strace $0x8000004B  }
0xb5: {  	_ =	swait.ge [sflag:s29], $0x1  }
0xb6: {  	[sflag:s29] =	ssyncadd.s32 $0xFFFFFFFF  }
0xb7: {  	_ =	strace $0x9000004B  }
0xb8: {  	_ =	sfence  }
0xb9: {  	s30 =	sld [smem:$0x0];
	_ =	sdelay $0x2  }
0xba: {  	s31 =	sshll.u32 s1, $0xD;
	s1 =	sshrl.u32 s1, $0x2  }
0xbb: {  	s3 =	sand.u32 $0x4000, s31;
	s1 =	sadd.s32 s1, s30  }
0xbc: {  	s0 =	sor.u32 s3, s0;
	s1 =	sshll.u32 s1, $0x11  }
0xbd: {  	s0 =	sor.u32 s1, s0  }
0xbe: {  	s0 =	sadd.s32 $0x8F2B, s0  }
0xbf: {  	[sflag:s0] =	ssyncadd.remote.s32 $0x1  }
0xc0: {  	_ =	sfence.sel $0xFFFF  }
0xc1: {  	[dreg:$0x0] =	wrdreg $0xFFFFFFFF;
	(pc) =	sbr.abs _section_cstart, $3  }
0xc2: {  	[dreg:$0x1] =	wrdreg $0xFFFFFFFF  }
0xc3: {  	_ =	task.clear_ibuf [dreg:s7], $0x2FFFF;
	_ =	strace $0x9FFFFFFF  }
0xc4: {  	(tm) =	ssettm $0x7FFFFFFF  }
0xc5: {  	_ =	shalt  }
tec
execute0_lowered:
.L_overlay_start_1:
0x0: {  	(tag) =	ssettag $0x1  }
0x1: {  	s5 =	rddreg [dreg:$0x0]  }
0x2: {  	s15 =	rddreg [dreg:$0x1]  }
0x3: {  	s2 =	rddreg [dreg:$0x2];
	s1 =	stileid.u32  }
0x4: {  	s3 =	rddreg [dreg:$0x3];
	s16 =	smul.u32 $0x2780, s1  }
0x5: {  	s0 =	rddreg [dreg:$0x4];
	s4 =	simm.s32 $0x0  }
0x6: {  	s7 =	simm.s32 $0x15F90;
	[smem:$0x7FF] =	sst s4;
	s6 =	sshrl.u32 s16, $0x3  }
0x7: {  	_ =	strace $0x8000004A;
	s5 =	sadd.s32 s5, s6;
	s6 =	simm.s32 $0x2  }
0x8: {  	[tilespmem:s7], [sflag:$0x2] =	stream.linear.gather [hbm4b:s5+s4], $0x2780, $0x38;
	[tilespmem:$0x1D610] =	vst v63  }
0x9: {  	_ =	swait.ge [sflag:s6], $0x2780  }
0xa: {  	s8 =	srdreg.scid;
	[sflag:s6] =	ssyncset.done $0x0  }
0xb: {  	s17 =	sand.u32 $0x1, s8;
	s8 =	sadd.s32 s16, s2;
	[sflag:s6] =	ssyncadd.s32 $0xFFFFD880  }
0xc: {  	[spmem:s8] =	stream.linear.scatter [tilespmem:s7], [sflag:$0x2], $0x2780, $0x38;
	[tilespmem:$0x1D610] =	vst v63  }
0xd: {  	s9 =	sshll.u32 s17, $0x4;
	_ =	swait.ge [sflag:s6], $0x2780  }
0xe: {  	s9 =	sor.u32 s1, s9;
	[sflag:s6] =	ssyncset.done $0x0  }
0xf: {  	s10 =	smul.u32 $0x1388, s9;
	s9 =	sadd.s32 s16, s3;
	[sflag:s6] =	ssyncadd.s32 $0xFFFFD880  }
0x10: {  	[spmem:s9] =	stream.linear.scatter [tilespmem:s7], [sflag:$0x2], $0x2780, $0x38;
	[tilespmem:$0x1D610] =	vst v63  }
0x11: {  	s10 =	sshrl.u32 s10, $0x3;
	_ =	swait.ge [sflag:s6], $0x2780  }
0x12: {  	s11 =	sadd.s32 s10, s15;
	[sflag:s6] =	ssyncset.done $0x0  }
0x13: {  	s10 =	sadd.s32 $0x1E00, s11;
	[sflag:s6] =	ssyncadd.s32 $0xFFFFD880  }
0x14: {  	[tilespmem:s4], [sflag:$0x2] =	stream.linear.gather [hbm4b:s10+s4], $0x1388, $0x38;
	[tilespmem:$0x1D610] =	vst v63  }
0x15: {  	_ =	swait.ge [sflag:s6], $0x1388  }
0x16: {  	[sflag:s6] =	ssyncset.done $0x0  }
0x17: {  	s12 =	simm.s32 $0x1388;
	s11 =	sadd.s32 $0x6C20, s11;
	[sflag:s6] =	ssyncadd.s32 $0xFFFFEC78  }
0x18: {  	[tilespmem:s12], [sflag:$0x2] =	stream.linear.gather [hbm4b:s11+s4], $0x1388, $0x38;
	[tilespmem:$0x1D610] =	vst v63  }
0x19: {  	_ =	swait.ge [sflag:s6], $0x1388  }
0x1a: {  	[sflag:s6] =	ssyncset.done $0x0  }
0x1b: {  	s13 =	simm.s32 $0x2710;
	[sflag:s6] =	ssyncadd.s32 $0xFFFFEC78  }
0x1c: {  	s14 =	simm.s32 $0x1;
	s18 =	smul.u32 $0x27800, s17;
	[bflag:$0x0] =	sbarrier.arrive $0xFFFF  }
0x1d: {  	[tilespmem:s13], [sflag:$0x1] =	stream.indirect.gather [spmem:s3], $0x10, s4, s12, $0xb8;
	[tilespmem:$0x1D610] =	vst v63  }
0x1e: {  	s17 =	ssub.s32 $0x2, s17;
	s16 =	sadd.s32 s16, s18;
	_ =	swait.ge [sflag:s14], $0x13880  }
0x1f: {  	s29 =	sshrl.u32 s17, $0x1;
	s16 =	sshrl.u32 s16, $0x3;
	[sflag:s14] =	ssyncset.done $0x0  }
0x20: {  	s15 =	sadd.s32 s16, s15;
	s16 =	ssub.s32 s17, s29;
	[sflag:s14] =	ssyncadd.s32 $0xFFFEC780  }
0x21: {  	[spmem:s2] =	stream.indirect.scatter.add.f32 [tilespmem:s13], [sflag:$0x2], $0x10, s12, s12, $0xb8;
	[tilespmem:$0x1D610] =	vst v63  }
0x22: {  	s30 =	smax.u32 s16, $0x1;
	_ =	swait.ge [sflag:s6], $0x13880  }
0x23: {  	s31 =	sshll.u32 s1, $0x6;
	p0 =	sne.s32 s30, $0x1;
	[sflag:s6] =	ssyncset.done $0x0  }
.Ltmp0:
0x24: {  	s17 =	sshrl.u32 s8, $0x3;
	[sflag:s6] =	ssyncadd.s32 $0xFFFEC780;
	(pc) =	sbr.rel @!p0 .LBB2_2-.Ltmp0, $4  }
0x25: {  	s15 =	sadd.s32 $0xBC00, s15;
	s16 =	sor.u32 $0x1C02, s31;
	[bflag:$0x0] =	sbarrier.arrive $0xFFFF  }
0x26: {  	[hbm:s15], [sflag:s16] =	dma.local [spmem:s17], $0x4F0  }
0x27: {  	_ =	swait.ge [sflag:s6], $0x4F0  }
0x28: {  	s18 =	sadd.s32 $0xFFFFFFFF, s30;
	[sflag:s6] =	ssyncset.done $0x0  }
.LBB2_1:
0x29: {  	p0 =	sne.s32 s18, $0x1;
	s18 =	sadd.s32 $0xFFFFFFFF, s18;
	[sflag:s6] =	ssyncadd.s32 $0xFFFFFB10  }
0x2a: {  	[tilespmem:s7], [sflag:$0x2] =	stream.linear.gather [hbm4b:s5+s4], $0x2780, $0x38;
	[tilespmem:$0x1D610] =	vst v63  }
0x2b: {  	_ =	swait.ge [sflag:s6], $0x2780  }
0x2c: {  	[sflag:s6] =	ssyncset.done $0x0  }
0x2d: {  	[sflag:s6] =	ssyncadd.s32 $0xFFFFD880  }
0x2e: {  	[spmem:s8] =	stream.linear.scatter [tilespmem:s7], [sflag:$0x2], $0x2780, $0x38;
	[tilespmem:$0x1D610] =	vst v63  }
0x2f: {  	_ =	swait.ge [sflag:s6], $0x2780  }
0x30: {  	[sflag:s6] =	ssyncset.done $0x0  }
0x31: {  	[sflag:s6] =	ssyncadd.s32 $0xFFFFD880  }
0x32: {  	[spmem:s9] =	stream.linear.scatter [tilespmem:s7], [sflag:$0x2], $0x2780, $0x38;
	[tilespmem:$0x1D610] =	vst v63  }
0x33: {  	_ =	swait.ge [sflag:s6], $0x2780  }
0x34: {  	[sflag:s6] =	ssyncset.done $0x0  }
0x35: {  	[sflag:s6] =	ssyncadd.s32 $0xFFFFD880  }
0x36: {  	[tilespmem:s4], [sflag:$0x2] =	stream.linear.gather [hbm4b:s10+s4], $0x1388, $0x38;
	[tilespmem:$0x1D610] =	vst v63  }
0x37: {  	_ =	swait.ge [sflag:s6], $0x1388  }
0x38: {  	[sflag:s6] =	ssyncset.done $0x0  }
0x39: {  	[sflag:s6] =	ssyncadd.s32 $0xFFFFEC78  }
0x3a: {  	[tilespmem:s12], [sflag:$0x2] =	stream.linear.gather [hbm4b:s11+s4], $0x1388, $0x38;
	[tilespmem:$0x1D610] =	vst v63  }
0x3b: {  	_ =	swait.ge [sflag:s6], $0x1388  }
0x3c: {  	[sflag:s6] =	ssyncset.done $0x0  }
0x3d: {  	[sflag:s6] =	ssyncadd.s32 $0xFFFFEC78  }
0x3e: {  	[bflag:$0x0] =	sbarrier.arrive $0xFFFF  }
0x3f: {  	[tilespmem:s13], [sflag:$0x1] =	stream.indirect.gather [spmem:s3], $0x10, s4, s12, $0xb8;
	[tilespmem:$0x1D610] =	vst v63  }
0x40: {  	_ =	swait.ge [sflag:s14], $0x13880  }
0x41: {  	[sflag:s14] =	ssyncset.done $0x0  }
0x42: {  	[sflag:s14] =	ssyncadd.s32 $0xFFFEC780  }
0x43: {  	[spmem:s2] =	stream.indirect.scatter.add.f32 [tilespmem:s13], [sflag:$0x2], $0x10, s12, s12, $0xb8;
	[tilespmem:$0x1D610] =	vst v63  }
0x44: {  	_ =	swait.ge [sflag:s6], $0x13880  }
0x45: {  	[sflag:s6] =	ssyncset.done $0x0  }
.Ltmp1:
0x46: {  	[sflag:s6] =	ssyncadd.s32 $0xFFFEC780;
	(pc) =	sbr.rel @p0 .LBB2_1-.Ltmp1, $4  }
0x47: {  	[bflag:$0x0] =	sbarrier.arrive $0xFFFF  }
0x48: {  	[hbm:s15], [sflag:s16] =	dma.local [spmem:s17], $0x4F0  }
0x49: {  	_ =	swait.ge [sflag:s6], $0x4F0  }
0x4a: {  	[sflag:s6] =	ssyncset.done $0x0  }
.LBB2_2:
0x4b: {  	[sflag:s6] =	ssyncadd.s32 $0xFFFFFB10  }
0x4c: {  	_ =	sfence.sel $0x180000  }
0x4d: {  	[bflag:$0x0] =	sbarrier.arrive $0xFFFF  }
0x4e: {  	p0 =	sne.s32 s1, $0x0;
	_ =	strace $0x9000004A  }
0x4f: {  	s0 =	sadd.s32 @!p0 $0x100000, s0;
	[bflag:$0x2] =	sbarrier.arrive $0xFFFF  }
0x50: {  	[sflag:s0] =	ssyncadd.tile.s32 @!p0 $0x1;
	_ =	shalt  }
.Lfunc_end2:
_tile_overlayer_lowered:
.L_overlay_start_2:
0x51: {  	(tag) =	ssettag $0x2  }
0x52: {  	s0 =	rddreg [dreg:$0x0];
	s2 =	stileid.u32  }
0x53: {  	s1 =	rddreg [dreg:$0x1];
	p0 =	sne.s32 s2, $0x0  }
0x54: {  	s3 =	rddreg [dreg:$0x2];
	[bflag:$0x3] =	sbarrier.arrive $0xFFFF;
	s2 =	simm.s32 @!p0 $0x1C02  }
0x55: {  	[timem:s3], [sflag:s2] =	dma.local @!p0 [hbm:s0], s1  }
0x56: {  	s0 =	simm.s32 @!p0 $0x2  }
0x57: {  	_ =	swait.ge @!p0 [sflag:s0], s1  }
0x58: {  	s1 =	ssub.s32 @!p0 $0x0, s1;
	[sflag:s0] =	ssyncset.done @!p0 $0x0  }
0x59: {  	[sflag:s0] =	ssyncadd.s32 @!p0 s1  }
0x5a: {  	[bflag:$0x3] =	sbarrier.arrive $0xFFFF  }
0x5b: {  	_ =	shalt  }

// kernel: kernel.17.cloned.1.call-start
scs
__scs_entry_jumppad:
0x0: {  	(pc) =	sbr.rel $0x88, $3  }
0x1: {  	(tag) =	ssettag $0x0;
	lr =	simm.s32 $0x1  }
0x2: {  	[smem:$0x3F99] =	sst lr;
	_ =	strace $0xD0000000  }
0x3: {  	_ = 	snop  }
0x4: {  	_ = 	snop  }
0x5: {  	_ = 	snop  }
0x6: {  	_ = 	snop  }
0x7: {  	_ = 	snop  }
__scs_overlays_trampoline_lowered:
0x8: {  	[smem:$0x3FA8] =	sst s0  }
0x9: {  	[smem:$0x3FA9] =	sst s1  }
0xa: {  	[smem:$0x3FAA] =	sst s2  }
0xb: {  	[smem:$0x3FAB] =	sst s3  }
0xc: {  	[smem:$0x3FAC] =	sst s4  }
0xd: {  	[smem:$0x3FAD] =	sst s5  }
0xe: {  	[smem:$0x3FAE] =	sst s6  }
0xf: {  	[smem:$0x3FAF] =	sst s7  }
0x10: {  	[smem:$0x3FB0] =	sst s8  }
0x11: {  	[smem:$0x3FB1] =	sst s9;
	s0 =	simm.s32 @!p0 $0x0  }
0x12: {  	s1 =	sld [smem:$0x3F97];
	s0 =	simm.s32 @p0 $0x1  }
0x13: {  	[smem:$0x3FB2] =	sst s0;
	s0 =	simm.s32 @!p1 $0x0  }
0x14: {  	s2 =	sld [smem:$0x3F96];
	s0 =	simm.s32 @p1 $0x1  }
0x15: {  	[smem:$0x3FB3] =	sst s0;
	s0 =	simm.s32 @!p2 $0x0  }
0x16: {  	s3 =	sld [smem:$0x3FDB];
	s0 =	simm.s32 @p2 $0x1  }
0x17: {  	s4 =	simm.s32 $0x1BF5;
	[smem:$0x3FB5] =	sst s0  }
0x18: {  	s0 =	sld [smem:$0x3F98];
	_ =	swait.ge [sflag:s4], $0x0  }
0x19: {  	s7 =	sld [smem:$0x3F99]  }
0x1a: {  	s8 =	sadd.s32 $0xFFFFE003, lr  }
0x1b: {  	s9 =	sadd.s32 $0xFFFFFEF7, lr;
	s5 =	simm.s32 $0xFFFFFFFF;
	p2 =	slt.u32 s8, $0xFFFFF086  }
0x1c: {  	p1 =	slt.u32 s9, $0xF7A;
	s5 =	simm.s32 @!p2 $0x0  }
0x1d: {  	s5 =	simm.s32 @p1 $0x1;
	p0 =	seq.s32 s7, s2  }
0x1e: {  	s7 =	smul.u32 @!p0 $0xF7A, s2;
	p2 =	seq.s32 @!p0 s5, $0x0  }
0x1f: {  	s9 =	smul.u32 $0xF7A, s1;
	s8 =	simm.s32 @!p0 $0x1BF5;
	p2 =	por !p2, p0  }
0x20: {  	[sflag:s8] =	ssyncset.s32 @!p0 $0xFFFFF086;
	s6 =	sadd.s32 @!p0 s3, s7;
	s7 =	simm.s32 @!p0 $0x108  }
0x21: {  	s3 =	sadd.s32 s3, s9;
	s6 =	sadd.s32 @!p0 $0x88, s6;
	s7 =	simm.s32 @p2 $0x1082  }
0x22: {  	[simem:s7], [sflag:s8] =	dma.local @!p0 [hbm:s6], $0xF7A  }
0x23: {  	s9 =	sor.u32 $0xD0000000, s2;
	s6 =	simm.s32 $0x108;
	_ =	swait.ge @!p0 [sflag:s8], $0x0  }
0x24: {  	s3 =	sadd.s32 $0x88, s3;
	s6 =	simm.s32 @!p1 $0x1082;
	[sflag:s4] =	ssyncset.s32 $0xFFFFF086  }
0x25: {  	[simem:s6], [sflag:s4] =	dma.local [hbm:s3], $0xF7A  }
0x26: {  	[smem:$0x3F99] =	sst s1;
	(tag) =	ssettag s2;
	_ =	strace s9  }
0x27: {  	s1 =	sld [smem:$0x3FA9]  }
0x28: {  	s2 =	sld [smem:$0x3FAA]  }
0x29: {  	s4 =	sld [smem:$0x3FAC]  }
0x2a: {  	p0 =	seq.s32 s5, $0x0;
	s5 =	sld [smem:$0x3FAD]  }
0x2b: {  	s6 =	sld [smem:$0x3FAE]  }
0x2c: {  	s7 =	sld [smem:$0x3FAF]  }
0x2d: {  	s3 =	simm.s32 $0x108;
	s8 =	sld [smem:$0x3FB0]  }
0x2e: {  	s3 =	simm.s32 @!p0 $0x1082;
	s9 =	sld [smem:$0x3FB1]  }
0x2f: {  	lr =	sadd.s32 s0, s3;
	s0 =	sld [smem:$0x3FA8]  }
0x30: {  	s3 =	sld [smem:$0x3FAB]  }
0x31: {  	[smem:$0x3FB4] =	sst s10  }
0x32: {  	s10 =	sld [smem:$0x3FB2];
	_ =	sdelay $0x3  }
0x33: {  	p0 =	seq.s32 s10, $0x1;
	s10 =	sld [smem:$0x3FB4];
	_ =	sdelay $0x3  }
0x34: {  	[smem:$0x3FB4] =	sst s10  }
0x35: {  	s10 =	sld [smem:$0x3FB3];
	_ =	sdelay $0x3  }
0x36: {  	p1 =	seq.s32 s10, $0x1;
	s10 =	sld [smem:$0x3FB4];
	_ =	sdelay $0x3  }
0x37: {  	[smem:$0x3FB4] =	sst s10  }
0x38: {  	s10 =	sld [smem:$0x3FB5]  }
0x39: {  	_ = 	snop;
	(pc) =	sbr.ind lr, $3  }
0x3a: {  	_ = 	snop  }
0x3b: {  	_ = 	snop  }
0x3c: {  	p2 =	seq.s32 s10, $0x1;
	s10 =	sld [smem:$0x3FB4]  }
0x3d: {  	_ =	shalt  }
0x3e: {  	_ =	shalt  }
0x3f: {  	_ =	shalt  }
0x40: {  	_ =	shalt  }
0x41: {  	_ =	shalt  }
0x42: {  	_ =	shalt  }
0x43: {  	_ =	shalt  }
0x44: {  	_ =	shalt  }
0x45: {  	_ =	shalt  }
0x46: {  	_ =	shalt  }
0x47: {  	_ =	shalt  }
0x48: {  	_ =	shalt  }
0x49: {  	_ =	shalt  }
0x4a: {  	_ =	shalt  }
0x4b: {  	_ =	shalt  }
0x4c: {  	_ =	shalt  }
0x4d: {  	_ =	shalt  }
0x4e: {  	_ =	shalt  }
0x4f: {  	_ =	shalt  }
0x50: {  	_ =	shalt  }
0x51: {  	_ =	shalt  }
0x52: {  	_ =	shalt  }
0x53: {  	_ =	shalt  }
0x54: {  	_ =	shalt  }
0x55: {  	_ =	shalt  }
0x56: {  	_ =	shalt  }
0x57: {  	_ =	shalt  }
0x58: {  	_ =	shalt  }
0x59: {  	_ =	shalt  }
0x5a: {  	_ =	shalt  }
0x5b: {  	_ =	shalt  }
0x5c: {  	_ =	shalt  }
0x5d: {  	_ =	shalt  }
0x5e: {  	_ =	shalt  }
0x5f: {  	_ =	shalt  }
0x60: {  	_ =	shalt  }
0x61: {  	_ =	shalt  }
0x62: {  	_ =	shalt  }
0x63: {  	_ =	shalt  }
0x64: {  	_ =	shalt  }
0x65: {  	_ =	shalt  }
0x66: {  	_ =	shalt  }
0x67: {  	_ =	shalt  }
0x68: {  	_ =	shalt  }
0x69: {  	_ =	shalt  }
0x6a: {  	_ =	shalt  }
0x6b: {  	_ =	shalt  }
0x6c: {  	_ =	shalt  }
0x6d: {  	_ =	shalt  }
0x6e: {  	_ =	shalt  }
0x6f: {  	_ =	shalt  }
0x70: {  	_ =	shalt  }
0x71: {  	_ =	shalt  }
0x72: {  	_ =	shalt  }
0x73: {  	_ =	shalt  }
0x74: {  	_ =	shalt  }
0x75: {  	_ =	shalt  }
0x76: {  	_ =	shalt  }
0x77: {  	_ =	shalt  }
0x78: {  	_ =	shalt  }
0x79: {  	_ =	shalt  }
0x7a: {  	_ =	shalt  }
0x7b: {  	_ =	shalt  }
0x7c: {  	_ =	shalt  }
0x7d: {  	_ =	shalt  }
0x7e: {  	_ =	shalt  }
0x7f: {  	_ =	shalt  }
0x80: {  	_ =	shalt  }
0x81: {  	_ =	shalt  }
0x82: {  	_ =	shalt  }
0x83: {  	_ =	shalt  }
0x84: {  	_ =	shalt  }
0x85: {  	_ =	shalt  }
0x86: {  	_ =	shalt  }
0x87: {  	_ =	shalt  }
.Lfunc_end0:
.L_simem_size_0:
called_computation.2_lowered:
.L_overlay_start_0:
0x88: {  	s2 =	sld [smem:$0x3FD9]  }
0x89: {  	s3 =	sld [smem:$0x3FFE];
	_ =	sdelay $0x1  }
0x8a: {  	s1 =	srdreg.scid  }
0x8b: {  	s0 =	sand.u32 $0x1, s1  }
0x8c: {  	s17 =	sshll.u32 s0, $0xA;
	s2 =	sadd.s32 s3, s2  }
0x8d: {  	s2 =	sadd.s32 s2, s17  }
0x8e: {  	[smem:$0x3FC0] =	sst s2  }
0x8f: {  	_ = 	snop  }
0x90: {  	s2 =	sld [smem:$0x3FD0];
	(tm) =	ssettm $0x1  }
0x91: {  	s18 =	sld [smem:$0x3FFB];
	_ =	sdelay $0x3  }
0x92: {  	_ =	strace s18  }
0x93: {  	s3 =	sld [smem:$0x3FFC];
	_ =	sdelay $0x3  }
0x94: {  	_ =	strace s3  }
0x95: {  	s3 =	sld [smem:$0x3FFD];
	_ =	sdelay $0x3  }
0x96: {  	_ =	strace s3  }
0x97: {  	_ =	strace $0x8FFFFFFF  }
0x98: {  	s19 =	sld [smem:$0x3FDB];
	_ =	sdelay $0x1  }
0x99: {  	s4 =	simm.s32 $_scs_section_size  }
0x9a: {  	s5 =	simm.s32 $_size__tile_overlayer_lowered;
	s6 =	simm.s32 $_tile_overlayer_lowered  }
0x9b: {  	s22 =	simm.s32 $0x1BFF;
	s21 =	sshll.u32 s6, $0x1;
	s3 =	sadd.s32 s4, s19  }
0x9c: {  	s7 =	simm.s32 $0x0;
	s20 =	sshll.u32 s5, $0x1;
	s5 =	sadd.s32 s21, s3  }
0x9d: {  	[timem:s7], [sflag:s22] =	dma.local [hbm:s5], s20  }
0x9e: {  	_ =	swait.ge [sflag:s22], s20  }
0x9f: {  	s4 =	ssub.s32 $0x0, s20;
	[sflag:s22] =	ssyncset.done $0x0  }
0xa0: {  	[sflag:s22] =	ssyncadd.s32 s4;
	_ =	sdelay $0x1  }
0xa1: {  	s23 =	simm.s32 $0x1B8B  }
0xa2: {  	_ =	swait.ge [sflag:s23], $0x1  }
0xa3: {  	[sflag:s23] =	ssyncset.done $0x0  }
0xa4: {  	s25 =	simm.s32 $0x1B8E;
	s24 =	sld [smem:$0x3FFE];
	[sflag:s23] =	ssyncadd.s32 $0xFFFFFFFF  }
0xa5: {  	s26 =	simm.s32 $execute0_lowered;
	[smem:$0x3FD2] =	sst s25  }
0xa6: {  	s5 =	sshll.u32 s26, $0x1;
	_ =	strace $0x8000004C;
	[dreg:$0x1] =	wrdreg $0xFFFFFFFF  }
0xa7: {  	s28 =	simm.s32 $_size_execute0_lowered;
	s3 =	sadd.s32 s3, s5;
	[dreg:$0x0] =	wrdreg $0x0  }
0xa8: {  	s5 =	sshll.u32 s28, $0x1;
	[dreg:$0x2] =	wrdreg s3  }
0xa9: {  	[dreg:$0x3] =	wrdreg s5  }
0xaa: {  	[dreg:$0x4] =	wrdreg $0xC0  }
0xab: {  	_ =	task [dreg:s7], $0x5FFFF  }
0xac: {  	[dreg:$0x1] =	wrdreg $0xFFFFFFFF  }
0xad: {  	[dreg:$0x0] =	wrdreg $0x60  }
0xae: {  	[dreg:$0x2] =	wrdreg s2  }
0xaf: {  	[dreg:$0x3] =	wrdreg s24  }
0xb0: {  	[dreg:$0x4] =	wrdreg $0x187100  }
0xb1: {  	[dreg:$0x5] =	wrdreg $0x1AE900  }
0xb2: {  	[dreg:$0x6] =	wrdreg $0x9  }
0xb3: {  	_ =	task.clear_ibuf [dreg:s7], $0x7FFFF;
	_ =	strace $0x9000004C  }
0xb4: {  	s29 =	simm.s32 $0x9;
	_ =	strace $0x8000004E  }
0xb5: {  	_ =	swait.ge [sflag:s29], $0x1  }
0xb6: {  	[sflag:s29] =	ssyncadd.s32 $0xFFFFFFFF  }
0xb7: {  	_ =	strace $0x9000004E  }
0xb8: {  	_ =	sfence  }
0xb9: {  	s30 =	sld [smem:$0x0];
	_ =	sdelay $0x2  }
0xba: {  	s31 =	sshll.u32 s1, $0xD;
	s1 =	sshrl.u32 s1, $0x2  }
0xbb: {  	s3 =	sand.u32 $0x4000, s31;
	s1 =	sadd.s32 s1, s30  }
0xbc: {  	s0 =	sor.u32 s3, s0;
	s1 =	sshll.u32 s1, $0x11  }
0xbd: {  	s0 =	sor.u32 s1, s0  }
0xbe: {  	s0 =	sadd.s32 $0x8F2B, s0  }
0xbf: {  	[sflag:s0] =	ssyncadd.remote.s32 $0x1  }
0xc0: {  	_ =	sfence.sel $0xFFFF  }
0xc1: {  	[dreg:$0x0] =	wrdreg $0xFFFFFFFF;
	(pc) =	sbr.abs _section_cstart, $3  }
0xc2: {  	[dreg:$0x1] =	wrdreg $0xFFFFFFFF  }
0xc3: {  	_ =	task.clear_ibuf [dreg:s7], $0x2FFFF;
	_ =	strace $0x9FFFFFFF  }
0xc4: {  	(tm) =	ssettm $0x7FFFFFFF  }
0xc5: {  	_ =	shalt  }
tec
execute0_lowered:
.L_overlay_start_1:
0x0: {  	(tag) =	ssettag $0x1  }
0x1: {  	s5 =	rddreg [dreg:$0x0]  }
0x2: {  	s15 =	rddreg [dreg:$0x1]  }
0x3: {  	s2 =	rddreg [dreg:$0x2];
	s1 =	stileid.u32  }
0x4: {  	s3 =	rddreg [dreg:$0x3];
	s16 =	smul.u32 $0x2780, s1  }
0x5: {  	s0 =	rddreg [dreg:$0x4];
	s4 =	simm.s32 $0x0  }
0x6: {  	s7 =	simm.s32 $0x15F90;
	[smem:$0x7FF] =	sst s4;
	s6 =	sshrl.u32 s16, $0x3  }
0x7: {  	_ =	strace $0x8000004D;
	s5 =	sadd.s32 s5, s6;
	s6 =	simm.s32 $0x2  }
0x8: {  	[tilespmem:s7], [sflag:$0x2] =	stream.linear.gather [hbm4b:s5+s4], $0x2780, $0x38;
	[tilespmem:$0x1D610] =	vst v63  }
0x9: {  	_ =	swait.ge [sflag:s6], $0x2780  }
0xa: {  	s8 =	srdreg.scid;
	[sflag:s6] =	ssyncset.done $0x0  }
0xb: {  	s17 =	sand.u32 $0x1, s8;
	s8 =	sadd.s32 s16, s2;
	[sflag:s6] =	ssyncadd.s32 $0xFFFFD880  }
0xc: {  	[spmem:s8] =	stream.linear.scatter [tilespmem:s7], [sflag:$0x2], $0x2780, $0x38;
	[tilespmem:$0x1D610] =	vst v63  }
0xd: {  	s9 =	sshll.u32 s17, $0x4;
	_ =	swait.ge [sflag:s6], $0x2780  }
0xe: {  	s9 =	sor.u32 s1, s9;
	[sflag:s6] =	ssyncset.done $0x0  }
0xf: {  	s10 =	smul.u32 $0x1388, s9;
	s9 =	sadd.s32 s16, s3;
	[sflag:s6] =	ssyncadd.s32 $0xFFFFD880  }
0x10: {  	[spmem:s9] =	stream.linear.scatter [tilespmem:s7], [sflag:$0x2], $0x2780, $0x38;
	[tilespmem:$0x1D610] =	vst v63  }
0x11: {  	s10 =	sshrl.u32 s10, $0x3;
	_ =	swait.ge [sflag:s6], $0x2780  }
0x12: {  	s11 =	sadd.s32 s10, s15;
	[sflag:s6] =	ssyncset.done $0x0  }
0x13: {  	s10 =	sadd.s32 $0x1E00, s11;
	[sflag:s6] =	ssyncadd.s32 $0xFFFFD880  }
0x14: {  	[tilespmem:s4], [sflag:$0x2] =	stream.linear.gather [hbm4b:s10+s4], $0x1388, $0x38;
	[tilespmem:$0x1D610] =	vst v63  }
0x15: {  	_ =	swait.ge [sflag:s6], $0x1388  }
0x16: {  	[sflag:s6] =	ssyncset.done $0x0  }
0x17: {  	s12 =	simm.s32 $0x1388;
	s11 =	sadd.s32 $0x6C20, s11;
	[sflag:s6] =	ssyncadd.s32 $0xFFFFEC78  }
0x18: {  	[tilespmem:s12], [sflag:$0x2] =	stream.linear.gather [hbm4b:s11+s4], $0x1388, $0x38;
	[tilespmem:$0x1D610] =	vst v63  }
0x19: {  	_ =	swait.ge [sflag:s6], $0x1388  }
0x1a: {  	[sflag:s6] =	ssyncset.done $0x0  }
0x1b: {  	s13 =	simm.s32 $0x2710;
	[sflag:s6] =	ssyncadd.s32 $0xFFFFEC78  }
0x1c: {  	s14 =	simm.s32 $0x1;
	s18 =	smul.u32 $0x27800, s17;
	[bflag:$0x0] =	sbarrier.arrive $0xFFFF  }
0x1d: {  	[tilespmem:s13], [sflag:$0x1] =	stream.indirect.gather [spmem:s3], $0x10, s4, s12, $0xb8;
	[tilespmem:$0x1D610] =	vst v63  }
0x1e: {  	s17 =	ssub.s32 $0x2, s17;
	s16 =	sadd.s32 s16, s18;
	_ =	swait.ge [sflag:s14], $0x13880  }
0x1f: {  	s29 =	sshrl.u32 s17, $0x1;
	s16 =	sshrl.u32 s16, $0x3;
	[sflag:s14] =	ssyncset.done $0x0  }
0x20: {  	s15 =	sadd.s32 s16, s15;
	s16 =	ssub.s32 s17, s29;
	[sflag:s14] =	ssyncadd.s32 $0xFFFEC780  }
0x21: {  	[spmem:s2] =	stream.indirect.scatter.add.f32 [tilespmem:s13], [sflag:$0x2], $0x10, s12, s12, $0xb8;
	[tilespmem:$0x1D610] =	vst v63  }
0x22: {  	s30 =	smax.u32 s16, $0x1;
	_ =	swait.ge [sflag:s6], $0x13880  }
0x23: {  	s31 =	sshll.u32 s1, $0x6;
	p0 =	sne.s32 s30, $0x1;
	[sflag:s6] =	ssyncset.done $0x0  }
.Ltmp0:
0x24: {  	s17 =	sshrl.u32 s8, $0x3;
	[sflag:s6] =	ssyncadd.s32 $0xFFFEC780;
	(pc) =	sbr.rel @!p0 .LBB2_2-.Ltmp0, $4  }
0x25: {  	s15 =	sadd.s32 $0xBC00, s15;
	s16 =	sor.u32 $0x1C02, s31;
	[bflag:$0x0] =	sbarrier.arrive $0xFFFF  }
0x26: {  	[hbm:s15], [sflag:s16] =	dma.local [spmem:s17], $0x4F0  }
0x27: {  	_ =	swait.ge [sflag:s6], $0x4F0  }
0x28: {  	s18 =	sadd.s32 $0xFFFFFFFF, s30;
	[sflag:s6] =	ssyncset.done $0x0  }
.LBB2_1:
0x29: {  	p0 =	sne.s32 s18, $0x1;
	s18 =	sadd.s32 $0xFFFFFFFF, s18;
	[sflag:s6] =	ssyncadd.s32 $0xFFFFFB10  }
0x2a: {  	[tilespmem:s7], [sflag:$0x2] =	stream.linear.gather [hbm4b:s5+s4], $0x2780, $0x38;
	[tilespmem:$0x1D610] =	vst v63  }
0x2b: {  	_ =	swait.ge [sflag:s6], $0x2780  }
0x2c: {  	[sflag:s6] =	ssyncset.done $0x0  }
0x2d: {  	[sflag:s6] =	ssyncadd.s32 $0xFFFFD880  }
0x2e: {  	[spmem:s8] =	stream.linear.scatter [tilespmem:s7], [sflag:$0x2], $0x2780, $0x38;
	[tilespmem:$0x1D610] =	vst v63  }
0x2f: {  	_ =	swait.ge [sflag:s6], $0x2780  }
0x30: {  	[sflag:s6] =	ssyncset.done $0x0  }
0x31: {  	[sflag:s6] =	ssyncadd.s32 $0xFFFFD880  }
0x32: {  	[spmem:s9] =	stream.linear.scatter [tilespmem:s7], [sflag:$0x2], $0x2780, $0x38;
	[tilespmem:$0x1D610] =	vst v63  }
0x33: {  	_ =	swait.ge [sflag:s6], $0x2780  }
0x34: {  	[sflag:s6] =	ssyncset.done $0x0  }
0x35: {  	[sflag:s6] =	ssyncadd.s32 $0xFFFFD880  }
0x36: {  	[tilespmem:s4], [sflag:$0x2] =	stream.linear.gather [hbm4b:s10+s4], $0x1388, $0x38;
	[tilespmem:$0x1D610] =	vst v63  }
0x37: {  	_ =	swait.ge [sflag:s6], $0x1388  }
0x38: {  	[sflag:s6] =	ssyncset.done $0x0  }
0x39: {  	[sflag:s6] =	ssyncadd.s32 $0xFFFFEC78  }
0x3a: {  	[tilespmem:s12], [sflag:$0x2] =	stream.linear.gather [hbm4b:s11+s4], $0x1388, $0x38;
	[tilespmem:$0x1D610] =	vst v63  }
0x3b: {  	_ =	swait.ge [sflag:s6], $0x1388  }
0x3c: {  	[sflag:s6] =	ssyncset.done $0x0  }
0x3d: {  	[sflag:s6] =	ssyncadd.s32 $0xFFFFEC78  }
0x3e: {  	[bflag:$0x0] =	sbarrier.arrive $0xFFFF  }
0x3f: {  	[tilespmem:s13], [sflag:$0x1] =	stream.indirect.gather [spmem:s3], $0x10, s4, s12, $0xb8;
	[tilespmem:$0x1D610] =	vst v63  }
0x40: {  	_ =	swait.ge [sflag:s14], $0x13880  }
0x41: {  	[sflag:s14] =	ssyncset.done $0x0  }
0x42: {  	[sflag:s14] =	ssyncadd.s32 $0xFFFEC780  }
0x43: {  	[spmem:s2] =	stream.indirect.scatter.add.f32 [tilespmem:s13], [sflag:$0x2], $0x10, s12, s12, $0xb8;
	[tilespmem:$0x1D610] =	vst v63  }
0x44: {  	_ =	swait.ge [sflag:s6], $0x13880  }
0x45: {  	[sflag:s6] =	ssyncset.done $0x0  }
.Ltmp1:
0x46: {  	[sflag:s6] =	ssyncadd.s32 $0xFFFEC780;
	(pc) =	sbr.rel @p0 .LBB2_1-.Ltmp1, $4  }
0x47: {  	[bflag:$0x0] =	sbarrier.arrive $0xFFFF  }
0x48: {  	[hbm:s15], [sflag:s16] =	dma.local [spmem:s17], $0x4F0  }
0x49: {  	_ =	swait.ge [sflag:s6], $0x4F0  }
0x4a: {  	[sflag:s6] =	ssyncset.done $0x0  }
.LBB2_2:
0x4b: {  	[sflag:s6] =	ssyncadd.s32 $0xFFFFFB10  }
0x4c: {  	_ =	sfence.sel $0x180000  }
0x4d: {  	[bflag:$0x0] =	sbarrier.arrive $0xFFFF  }
0x4e: {  	p0 =	sne.s32 s1, $0x0;
	_ =	strace $0x9000004D  }
0x4f: {  	s0 =	sadd.s32 @!p0 $0x100000, s0;
	[bflag:$0x2] =	sbarrier.arrive $0xFFFF  }
0x50: {  	[sflag:s0] =	ssyncadd.tile.s32 @!p0 $0x1;
	_ =	shalt  }
.Lfunc_end2:
_tile_overlayer_lowered:
.L_overlay_start_2:
0x51: {  	(tag) =	ssettag $0x2  }
0x52: {  	s0 =	rddreg [dreg:$0x0];
	s2 =	stileid.u32  }
0x53: {  	s1 =	rddreg [dreg:$0x1];
	p0 =	sne.s32 s2, $0x0  }
0x54: {  	s3 =	rddreg [dreg:$0x2];
	[bflag:$0x3] =	sbarrier.arrive $0xFFFF;
	s2 =	simm.s32 @!p0 $0x1C02  }
0x55: {  	[timem:s3], [sflag:s2] =	dma.local @!p0 [hbm:s0], s1  }
0x56: {  	s0 =	simm.s32 @!p0 $0x2  }
0x57: {  	_ =	swait.ge @!p0 [sflag:s0], s1  }
0x58: {  	s1 =	ssub.s32 @!p0 $0x0, s1;
	[sflag:s0] =	ssyncset.done @!p0 $0x0  }
0x59: {  	[sflag:s0] =	ssyncadd.s32 @!p0 s1  }
0x5a: {  	[bflag:$0x3] =	sbarrier.arrive $0xFFFF  }
0x5b: {  	_ =	shalt  }

// kernel: kernel.20.cloned.1.call-start
scs
__scs_entry_jumppad:
0x0: {  	(pc) =	sbr.rel $0x88, $3  }
0x1: {  	(tag) =	ssettag $0x0;
	lr =	simm.s32 $0x1  }
0x2: {  	[smem:$0x3F99] =	sst lr;
	_ =	strace $0xD0000000  }
0x3: {  	_ = 	snop  }
0x4: {  	_ = 	snop  }
0x5: {  	_ = 	snop  }
0x6: {  	_ = 	snop  }
0x7: {  	_ = 	snop  }
__scs_overlays_trampoline_lowered:
0x8: {  	[smem:$0x3FA8] =	sst s0  }
0x9: {  	[smem:$0x3FA9] =	sst s1  }
0xa: {  	[smem:$0x3FAA] =	sst s2  }
0xb: {  	[smem:$0x3FAB] =	sst s3  }
0xc: {  	[smem:$0x3FAC] =	sst s4  }
0xd: {  	[smem:$0x3FAD] =	sst s5  }
0xe: {  	[smem:$0x3FAE] =	sst s6  }
0xf: {  	[smem:$0x3FAF] =	sst s7  }
0x10: {  	[smem:$0x3FB0] =	sst s8  }
0x11: {  	[smem:$0x3FB1] =	sst s9;
	s0 =	simm.s32 @!p0 $0x0  }
0x12: {  	s1 =	sld [smem:$0x3F97];
	s0 =	simm.s32 @p0 $0x1  }
0x13: {  	[smem:$0x3FB2] =	sst s0;
	s0 =	simm.s32 @!p1 $0x0  }
0x14: {  	s2 =	sld [smem:$0x3F96];
	s0 =	simm.s32 @p1 $0x1  }
0x15: {  	[smem:$0x3FB3] =	sst s0;
	s0 =	simm.s32 @!p2 $0x0  }
0x16: {  	s3 =	sld [smem:$0x3FDB];
	s0 =	simm.s32 @p2 $0x1  }
0x17: {  	s4 =	simm.s32 $0x1BF5;
	[smem:$0x3FB5] =	sst s0  }
0x18: {  	s0 =	sld [smem:$0x3F98];
	_ =	swait.ge [sflag:s4], $0x0  }
0x19: {  	s7 =	sld [smem:$0x3F99]  }
0x1a: {  	s8 =	sadd.s32 $0xFFFFE003, lr  }
0x1b: {  	s9 =	sadd.s32 $0xFFFFFEF7, lr;
	s5 =	simm.s32 $0xFFFFFFFF;
	p2 =	slt.u32 s8, $0xFFFFF086  }
0x1c: {  	p1 =	slt.u32 s9, $0xF7A;
	s5 =	simm.s32 @!p2 $0x0  }
0x1d: {  	s5 =	simm.s32 @p1 $0x1;
	p0 =	seq.s32 s7, s2  }
0x1e: {  	s7 =	smul.u32 @!p0 $0xF7A, s2;
	p2 =	seq.s32 @!p0 s5, $0x0  }
0x1f: {  	s9 =	smul.u32 $0xF7A, s1;
	s8 =	simm.s32 @!p0 $0x1BF5;
	p2 =	por !p2, p0  }
0x20: {  	[sflag:s8] =	ssyncset.s32 @!p0 $0xFFFFF086;
	s6 =	sadd.s32 @!p0 s3, s7;
	s7 =	simm.s32 @!p0 $0x108  }
0x21: {  	s3 =	sadd.s32 s3, s9;
	s6 =	sadd.s32 @!p0 $0x88, s6;
	s7 =	simm.s32 @p2 $0x1082  }
0x22: {  	[simem:s7], [sflag:s8] =	dma.local @!p0 [hbm:s6], $0xF7A  }
0x23: {  	s9 =	sor.u32 $0xD0000000, s2;
	s6 =	simm.s32 $0x108;
	_ =	swait.ge @!p0 [sflag:s8], $0x0  }
0x24: {  	s3 =	sadd.s32 $0x88, s3;
	s6 =	simm.s32 @!p1 $0x1082;
	[sflag:s4] =	ssyncset.s32 $0xFFFFF086  }
0x25: {  	[simem:s6], [sflag:s4] =	dma.local [hbm:s3], $0xF7A  }
0x26: {  	[smem:$0x3F99] =	sst s1;
	(tag) =	ssettag s2;
	_ =	strace s9  }
0x27: {  	s1 =	sld [smem:$0x3FA9]  }
0x28: {  	s2 =	sld [smem:$0x3FAA]  }
0x29: {  	s4 =	sld [smem:$0x3FAC]  }
0x2a: {  	p0 =	seq.s32 s5, $0x0;
	s5 =	sld [smem:$0x3FAD]  }
0x2b: {  	s6 =	sld [smem:$0x3FAE]  }
0x2c: {  	s7 =	sld [smem:$0x3FAF]  }
0x2d: {  	s3 =	simm.s32 $0x108;
	s8 =	sld [smem:$0x3FB0]  }
0x2e: {  	s3 =	simm.s32 @!p0 $0x1082;
	s9 =	sld [smem:$0x3FB1]  }
0x2f: {  	lr =	sadd.s32 s0, s3;
	s0 =	sld [smem:$0x3FA8]  }
0x30: {  	s3 =	sld [smem:$0x3FAB]  }
0x31: {  	[smem:$0x3FB4] =	sst s10  }
0x32: {  	s10 =	sld [smem:$0x3FB2];
	_ =	sdelay $0x3  }
0x33: {  	p0 =	seq.s32 s10, $0x1;
	s10 =	sld [smem:$0x3FB4];
	_ =	sdelay $0x3  }
0x34: {  	[smem:$0x3FB4] =	sst s10  }
0x35: {  	s10 =	sld [smem:$0x3FB3];
	_ =	sdelay $0x3  }
0x36: {  	p1 =	seq.s32 s10, $0x1;
	s10 =	sld [smem:$0x3FB4];
	_ =	sdelay $0x3  }
0x37: {  	[smem:$0x3FB4] =	sst s10  }
0x38: {  	s10 =	sld [smem:$0x3FB5]  }
0x39: {  	_ = 	snop;
	(pc) =	sbr.ind lr, $3  }
0x3a: {  	_ = 	snop  }
0x3b: {  	_ = 	snop  }
0x3c: {  	p2 =	seq.s32 s10, $0x1;
	s10 =	sld [smem:$0x3FB4]  }
0x3d: {  	_ =	shalt  }
0x3e: {  	_ =	shalt  }
0x3f: {  	_ =	shalt  }
0x40: {  	_ =	shalt  }
0x41: {  	_ =	shalt  }
0x42: {  	_ =	shalt  }
0x43: {  	_ =	shalt  }
0x44: {  	_ =	shalt  }
0x45: {  	_ =	shalt  }
0x46: {  	_ =	shalt  }
0x47: {  	_ =	shalt  }
0x48: {  	_ =	shalt  }
0x49: {  	_ =	shalt  }
0x4a: {  	_ =	shalt  }
0x4b: {  	_ =	shalt  }
0x4c: {  	_ =	shalt  }
0x4d: {  	_ =	shalt  }
0x4e: {  	_ =	shalt  }
0x4f: {  	_ =	shalt  }
0x50: {  	_ =	shalt  }
0x51: {  	_ =	shalt  }
0x52: {  	_ =	shalt  }
0x53: {  	_ =	shalt  }
0x54: {  	_ =	shalt  }
0x55: {  	_ =	shalt  }
0x56: {  	_ =	shalt  }
0x57: {  	_ =	shalt  }
0x58: {  	_ =	shalt  }
0x59: {  	_ =	shalt  }
0x5a: {  	_ =	shalt  }
0x5b: {  	_ =	shalt  }
0x5c: {  	_ =	shalt  }
0x5d: {  	_ =	shalt  }
0x5e: {  	_ =	shalt  }
0x5f: {  	_ =	shalt  }
0x60: {  	_ =	shalt  }
0x61: {  	_ =	shalt  }
0x62: {  	_ =	shalt  }
0x63: {  	_ =	shalt  }
0x64: {  	_ =	shalt  }
0x65: {  	_ =	shalt  }
0x66: {  	_ =	shalt  }
0x67: {  	_ =	shalt  }
0x68: {  	_ =	shalt  }
0x69: {  	_ =	shalt  }
0x6a: {  	_ =	shalt  }
0x6b: {  	_ =	shalt  }
0x6c: {  	_ =	shalt  }
0x6d: {  	_ =	shalt  }
0x6e: {  	_ =	shalt  }
0x6f: {  	_ =	shalt  }
0x70: {  	_ =	shalt  }
0x71: {  	_ =	shalt  }
0x72: {  	_ =	shalt  }
0x73: {  	_ =	shalt  }
0x74: {  	_ =	shalt  }
0x75: {  	_ =	shalt  }
0x76: {  	_ =	shalt  }
0x77: {  	_ =	shalt  }
0x78: {  	_ =	shalt  }
0x79: {  	_ =	shalt  }
0x7a: {  	_ =	shalt  }
0x7b: {  	_ =	shalt  }
0x7c: {  	_ =	shalt  }
0x7d: {  	_ =	shalt  }
0x7e: {  	_ =	shalt  }
0x7f: {  	_ =	shalt  }
0x80: {  	_ =	shalt  }
0x81: {  	_ =	shalt  }
0x82: {  	_ =	shalt  }
0x83: {  	_ =	shalt  }
0x84: {  	_ =	shalt  }
0x85: {  	_ =	shalt  }
0x86: {  	_ =	shalt  }
0x87: {  	_ =	shalt  }
.Lfunc_end0:
.L_simem_size_0:
called_computation.3_lowered:
.L_overlay_start_0:
0x88: {  	s2 =	sld [smem:$0x3FD9]  }
0x89: {  	s3 =	sld [smem:$0x3FFE];
	_ =	sdelay $0x1  }
0x8a: {  	s1 =	srdreg.scid  }
0x8b: {  	s0 =	sand.u32 $0x1, s1  }
0x8c: {  	s17 =	sshll.u32 s0, $0xA;
	s2 =	sadd.s32 s3, s2  }
0x8d: {  	s2 =	sadd.s32 s2, s17  }
0x8e: {  	[smem:$0x3FC0] =	sst s2  }
0x8f: {  	_ = 	snop  }
0x90: {  	s2 =	sld [smem:$0x3FD0];
	(tm) =	ssettm $0x1  }
0x91: {  	s18 =	sld [smem:$0x3FFB];
	_ =	sdelay $0x3  }
0x92: {  	_ =	strace s18  }
0x93: {  	s3 =	sld [smem:$0x3FFC];
	_ =	sdelay $0x3  }
0x94: {  	_ =	strace s3  }
0x95: {  	s3 =	sld [smem:$0x3FFD];
	_ =	sdelay $0x3  }
0x96: {  	_ =	strace s3  }
0x97: {  	_ =	strace $0x8FFFFFFF  }
0x98: {  	s19 =	sld [smem:$0x3FDB];
	_ =	sdelay $0x1  }
0x99: {  	s4 =	simm.s32 $_scs_section_size  }
0x9a: {  	s5 =	simm.s32 $_size__tile_overlayer_lowered;
	s6 =	simm.s32 $_tile_overlayer_lowered  }
0x9b: {  	s22 =	simm.s32 $0x1BFF;
	s21 =	sshll.u32 s6, $0x1;
	s3 =	sadd.s32 s4, s19  }
0x9c: {  	s7 =	simm.s32 $0x0;
	s20 =	sshll.u32 s5, $0x1;
	s5 =	sadd.s32 s21, s3  }
0x9d: {  	[timem:s7], [sflag:s22] =	dma.local [hbm:s5], s20  }
0x9e: {  	_ =	swait.ge [sflag:s22], s20  }
0x9f: {  	s4 =	ssub.s32 $0x0, s20;
	[sflag:s22] =	ssyncset.done $0x0  }
0xa0: {  	[sflag:s22] =	ssyncadd.s32 s4;
	_ =	sdelay $0x1  }
0xa1: {  	s23 =	simm.s32 $0x1B8B  }
0xa2: {  	_ =	swait.ge [sflag:s23], $0x1  }
0xa3: {  	[sflag:s23] =	ssyncset.done $0x0  }
0xa4: {  	s25 =	simm.s32 $0x1B8E;
	s24 =	sld [smem:$0x3FFE];
	[sflag:s23] =	ssyncadd.s32 $0xFFFFFFFF  }
0xa5: {  	s26 =	simm.s32 $execute0_lowered;
	[smem:$0x3FD2] =	sst s25  }
0xa6: {  	s5 =	sshll.u32 s26, $0x1;
	_ =	strace $0x8000004F;
	[dreg:$0x1] =	wrdreg $0xFFFFFFFF  }
0xa7: {  	s28 =	simm.s32 $_size_execute0_lowered;
	s3 =	sadd.s32 s3, s5;
	[dreg:$0x0] =	wrdreg $0x0  }
0xa8: {  	s5 =	sshll.u32 s28, $0x1;
	[dreg:$0x2] =	wrdreg s3  }
0xa9: {  	[dreg:$0x3] =	wrdreg s5  }
0xaa: {  	[dreg:$0x4] =	wrdreg $0xC0  }
0xab: {  	_ =	task [dreg:s7], $0x5FFFF  }
0xac: {  	[dreg:$0x1] =	wrdreg $0xFFFFFFFF  }
0xad: {  	[dreg:$0x0] =	wrdreg $0x60  }
0xae: {  	[dreg:$0x2] =	wrdreg s24  }
0xaf: {  	[dreg:$0x3] =	wrdreg s2  }
0xb0: {  	[dreg:$0x4] =	wrdreg $0x187100  }
0xb1: {  	[dreg:$0x5] =	wrdreg $0x1AE900  }
0xb2: {  	[dreg:$0x6] =	wrdreg $0x9  }
0xb3: {  	_ =	task.clear_ibuf [dreg:s7], $0x7FFFF;
	_ =	strace $0x9000004F  }
0xb4: {  	s29 =	simm.s32 $0x9;
	_ =	strace $0x80000051  }
0xb5: {  	_ =	swait.ge [sflag:s29], $0x1  }
0xb6: {  	[sflag:s29] =	ssyncadd.s32 $0xFFFFFFFF  }
0xb7: {  	_ =	strace $0x90000051  }
0xb8: {  	_ =	sfence  }
0xb9: {  	s30 =	sld [smem:$0x0];
	_ =	sdelay $0x2  }
0xba: {  	s31 =	sshll.u32 s1, $0xD;
	s1 =	sshrl.u32 s1, $0x2  }
0xbb: {  	s3 =	sand.u32 $0x4000, s31;
	s1 =	sadd.s32 s1, s30  }
0xbc: {  	s0 =	sor.u32 s3, s0;
	s1 =	sshll.u32 s1, $0x11  }
0xbd: {  	s0 =	sor.u32 s1, s0  }
0xbe: {  	s0 =	sadd.s32 $0x8F2B, s0  }
0xbf: {  	[sflag:s0] =	ssyncadd.remote.s32 $0x1  }
0xc0: {  	_ =	sfence.sel $0xFFFF  }
0xc1: {  	[dreg:$0x0] =	wrdreg $0xFFFFFFFF;
	(pc) =	sbr.abs _section_cstart, $3  }
0xc2: {  	[dreg:$0x1] =	wrdreg $0xFFFFFFFF  }
0xc3: {  	_ =	task.clear_ibuf [dreg:s7], $0x2FFFF;
	_ =	strace $0x9FFFFFFF  }
0xc4: {  	(tm) =	ssettm $0x7FFFFFFF  }
0xc5: {  	_ =	shalt  }
tec
execute0_lowered:
.L_overlay_start_1:
0x0: {  	(tag) =	ssettag $0x1  }
0x1: {  	s10 =	rddreg [dreg:$0x0]  }
0x2: {  	s15 =	rddreg [dreg:$0x1];
	s0 =	stileid.u32  }
0x3: {  	s2 =	rddreg [dreg:$0x2];
	s16 =	smul.u32 $0x2780, s0  }
0x4: {  	s3 =	rddreg [dreg:$0x3]  }
0x5: {  	s1 =	rddreg [dreg:$0x4];
	s4 =	simm.s32 $0x0;
	s5 =	sshrl.u32 s16, $0x3  }
0x6: {  	s7 =	simm.s32 $0x15F90;
	[smem:$0x7FF] =	sst s4;
	s5 =	sadd.s32 s5, s10  }
0x7: {  	s6 =	simm.s32 $0x2;
	_ =	strace $0x80000050;
	s5 =	sadd.s32 $0xBC00, s5  }
0x8: {  	[tilespmem:s7], [sflag:$0x2] =	stream.linear.gather [hbm4b:s5+s4], $0x2780, $0x38;
	[tilespmem:$0x1D610] =	vst v63  }
0x9: {  	_ =	swait.ge [sflag:s6], $0x2780  }
0xa: {  	s8 =	srdreg.scid;
	[sflag:s6] =	ssyncset.done $0x0  }
0xb: {  	s17 =	sand.u32 $0x1, s8;
	s8 =	sadd.s32 s16, s2;
	[sflag:s6] =	ssyncadd.s32 $0xFFFFD880  }
0xc: {  	[spmem:s8] =	stream.linear.scatter [tilespmem:s7], [sflag:$0x2], $0x2780, $0x38;
	[tilespmem:$0x1D610] =	vst v63  }
0xd: {  	s9 =	sshll.u32 s17, $0x4;
	_ =	swait.ge [sflag:s6], $0x2780  }
0xe: {  	s9 =	sor.u32 s0, s9;
	[sflag:s6] =	ssyncset.done $0x0  }
0xf: {  	s11 =	smul.u32 $0x1388, s9;
	s9 =	sadd.s32 s16, s3;
	[sflag:s6] =	ssyncadd.s32 $0xFFFFD880  }
0x10: {  	[spmem:s9] =	stream.linear.scatter [tilespmem:s7], [sflag:$0x2], $0x2780, $0x38;
	[tilespmem:$0x1D610] =	vst v63  }
0x11: {  	s11 =	sshrl.u32 s11, $0x3;
	_ =	swait.ge [sflag:s6], $0x2780  }
0x12: {  	s11 =	sadd.s32 s11, s10;
	[sflag:s6] =	ssyncset.done $0x0  }
0x13: {  	s10 =	sadd.s32 $0x1E00, s11;
	[sflag:s6] =	ssyncadd.s32 $0xFFFFD880  }
0x14: {  	[tilespmem:s4], [sflag:$0x2] =	stream.linear.gather [hbm4b:s10+s4], $0x1388, $0x38;
	[tilespmem:$0x1D610] =	vst v63  }
0x15: {  	_ =	swait.ge [sflag:s6], $0x1388  }
0x16: {  	[sflag:s6] =	ssyncset.done $0x0  }
0x17: {  	s12 =	simm.s32 $0x1388;
	s11 =	sadd.s32 $0x6C20, s11;
	[sflag:s6] =	ssyncadd.s32 $0xFFFFEC78  }
0x18: {  	[tilespmem:s12], [sflag:$0x2] =	stream.linear.gather [hbm4b:s11+s4], $0x1388, $0x38;
	[tilespmem:$0x1D610] =	vst v63  }
0x19: {  	_ =	swait.ge [sflag:s6], $0x1388  }
0x1a: {  	[sflag:s6] =	ssyncset.done $0x0  }
0x1b: {  	[sflag:s6] =	ssyncadd.s32 $0xFFFFEC78  }
0x1c: {  	s13 =	simm.s32 $0x2710;
	s14 =	simm.s32 $0x1;
	[bflag:$0x0] =	sbarrier.arrive $0xFFFF  }
0x1d: {  	[tilespmem:s13], [sflag:$0x1] =	stream.indirect.gather [spmem:s3], $0x10, s4, s12, $0xb8;
	[tilespmem:$0x1D610] =	vst v63  }
0x1e: {  	s18 =	smul.u32 $0x27800, s17;
	s17 =	ssub.s32 $0x2, s17;
	_ =	swait.ge [sflag:s14], $0x13880  }
0x1f: {  	s30 =	sshrl.u32 s17, $0x1;
	[sflag:s14] =	ssyncset.done $0x0  }
0x20: {  	s31 =	sshll.u32 s0, $0x6;
	s17 =	ssub.s32 s17, s30;
	[sflag:s14] =	ssyncadd.s32 $0xFFFEC780  }
0x21: {  	[spmem:s2] =	stream.indirect.scatter.add.f32 [tilespmem:s13], [sflag:$0x2], $0x10, s12, s12, $0xb8;
	[tilespmem:$0x1D610] =	vst v63  }
0x22: {  	s16 =	sadd.s32 s16, s18;
	s18 =	smax.u32 s17, $0x1;
	_ =	swait.ge [sflag:s6], $0x13880  }
0x23: {  	s16 =	sshrl.u32 s16, $0x3;
	p0 =	sne.s32 s18, $0x1;
	[sflag:s6] =	ssyncset.done $0x0  }
.Ltmp0:
0x24: {  	s17 =	sshrl.u32 s8, $0x3;
	[sflag:s6] =	ssyncadd.s32 $0xFFFEC780;
	(pc) =	sbr.rel @!p0 .LBB2_2-.Ltmp0, $4  }
0x25: {  	s15 =	sadd.s32 s15, s16;
	s16 =	sor.u32 $0x1C02, s31;
	[bflag:$0x0] =	sbarrier.arrive $0xFFFF  }
0x26: {  	[hbm:s15], [sflag:s16] =	dma.local [spmem:s17], $0x4F0  }
0x27: {  	_ =	swait.ge [sflag:s6], $0x4F0  }
0x28: {  	s18 =	sadd.s32 $0xFFFFFFFF, s18;
	[sflag:s6] =	ssyncset.done $0x0  }
.LBB2_1:
0x29: {  	p0 =	sne.s32 s18, $0x1;
	s18 =	sadd.s32 $0xFFFFFFFF, s18;
	[sflag:s6] =	ssyncadd.s32 $0xFFFFFB10  }
0x2a: {  	[tilespmem:s7], [sflag:$0x2] =	stream.linear.gather [hbm4b:s5+s4], $0x2780, $0x38;
	[tilespmem:$0x1D610] =	vst v63  }
0x2b: {  	_ =	swait.ge [sflag:s6], $0x2780  }
0x2c: {  	[sflag:s6] =	ssyncset.done $0x0  }
0x2d: {  	[sflag:s6] =	ssyncadd.s32 $0xFFFFD880  }
0x2e: {  	[spmem:s8] =	stream.linear.scatter [tilespmem:s7], [sflag:$0x2], $0x2780, $0x38;
	[tilespmem:$0x1D610] =	vst v63  }
0x2f: {  	_ =	swait.ge [sflag:s6], $0x2780  }
0x30: {  	[sflag:s6] =	ssyncset.done $0x0  }
0x31: {  	[sflag:s6] =	ssyncadd.s32 $0xFFFFD880  }
0x32: {  	[spmem:s9] =	stream.linear.scatter [tilespmem:s7], [sflag:$0x2], $0x2780, $0x38;
	[tilespmem:$0x1D610] =	vst v63  }
0x33: {  	_ =	swait.ge [sflag:s6], $0x2780  }
0x34: {  	[sflag:s6] =	ssyncset.done $0x0  }
0x35: {  	[sflag:s6] =	ssyncadd.s32 $0xFFFFD880  }
0x36: {  	[tilespmem:s4], [sflag:$0x2] =	stream.linear.gather [hbm4b:s10+s4], $0x1388, $0x38;
	[tilespmem:$0x1D610] =	vst v63  }
0x37: {  	_ =	swait.ge [sflag:s6], $0x1388  }
0x38: {  	[sflag:s6] =	ssyncset.done $0x0  }
0x39: {  	[sflag:s6] =	ssyncadd.s32 $0xFFFFEC78  }
0x3a: {  	[tilespmem:s12], [sflag:$0x2] =	stream.linear.gather [hbm4b:s11+s4], $0x1388, $0x38;
	[tilespmem:$0x1D610] =	vst v63  }
0x3b: {  	_ =	swait.ge [sflag:s6], $0x1388  }
0x3c: {  	[sflag:s6] =	ssyncset.done $0x0  }
0x3d: {  	[sflag:s6] =	ssyncadd.s32 $0xFFFFEC78  }
0x3e: {  	[bflag:$0x0] =	sbarrier.arrive $0xFFFF  }
0x3f: {  	[tilespmem:s13], [sflag:$0x1] =	stream.indirect.gather [spmem:s3], $0x10, s4, s12, $0xb8;
	[tilespmem:$0x1D610] =	vst v63  }
0x40: {  	_ =	swait.ge [sflag:s14], $0x13880  }
0x41: {  	[sflag:s14] =	ssyncset.done $0x0  }
0x42: {  	[sflag:s14] =	ssyncadd.s32 $0xFFFEC780  }
0x43: {  	[spmem:s2] =	stream.indirect.scatter.add.f32 [tilespmem:s13], [sflag:$0x2], $0x10, s12, s12, $0xb8;
	[tilespmem:$0x1D610] =	vst v63  }
0x44: {  	_ =	swait.ge [sflag:s6], $0x13880  }
0x45: {  	[sflag:s6] =	ssyncset.done $0x0  }
.Ltmp1:
0x46: {  	[sflag:s6] =	ssyncadd.s32 $0xFFFEC780;
	(pc) =	sbr.rel @p0 .LBB2_1-.Ltmp1, $4  }
0x47: {  	[bflag:$0x0] =	sbarrier.arrive $0xFFFF  }
0x48: {  	[hbm:s15], [sflag:s16] =	dma.local [spmem:s17], $0x4F0  }
0x49: {  	_ =	swait.ge [sflag:s6], $0x4F0  }
0x4a: {  	[sflag:s6] =	ssyncset.done $0x0  }
.LBB2_2:
0x4b: {  	[sflag:s6] =	ssyncadd.s32 $0xFFFFFB10  }
0x4c: {  	_ =	sfence.sel $0x180000  }
0x4d: {  	[bflag:$0x0] =	sbarrier.arrive $0xFFFF  }
0x4e: {  	p0 =	sne.s32 s0, $0x0;
	_ =	strace $0x90000050  }
0x4f: {  	s0 =	sadd.s32 @!p0 $0x100000, s1;
	[bflag:$0x2] =	sbarrier.arrive $0xFFFF  }
0x50: {  	[sflag:s0] =	ssyncadd.tile.s32 @!p0 $0x1;
	_ =	shalt  }
.Lfunc_end2:
_tile_overlayer_lowered:
.L_overlay_start_2:
0x51: {  	(tag) =	ssettag $0x2  }
0x52: {  	s0 =	rddreg [dreg:$0x0];
	s2 =	stileid.u32  }
0x53: {  	s1 =	rddreg [dreg:$0x1];
	p0 =	sne.s32 s2, $0x0  }
0x54: {  	s3 =	rddreg [dreg:$0x2];
	[bflag:$0x3] =	sbarrier.arrive $0xFFFF;
	s2 =	simm.s32 @!p0 $0x1C02  }
0x55: {  	[timem:s3], [sflag:s2] =	dma.local @!p0 [hbm:s0], s1  }
0x56: {  	s0 =	simm.s32 @!p0 $0x2  }
0x57: {  	_ =	swait.ge @!p0 [sflag:s0], s1  }
0x58: {  	s1 =	ssub.s32 @!p0 $0x0, s1;
	[sflag:s0] =	ssyncset.done @!p0 $0x0  }
0x59: {  	[sflag:s0] =	ssyncadd.s32 @!p0 s1  }
0x5a: {  	[bflag:$0x3] =	sbarrier.arrive $0xFFFF  }
0x5b: {  	_ =	shalt  }

</sc_bundles>
